<compile_context>
chip_gen: v7x
topology: tpu7x:2x2x1
jax: 0.10.2.dev20260603
libtpu: 0.0.44.dev20260713+nightly
codegen_flags: <defaults>
</compile_context>

<pallas_src>
import dataclasses
import functools

import jax
import jax.numpy as jnp
from jax import lax
from jax.experimental import pallas as pl
from jax.experimental.pallas import tpu as pltpu
from jax.experimental.pallas import tpu_sc as plsc

N = 10000
E = 320000
C_IN = 128
C_HID = 32

NC = 2
NS = 16
L = 16

CHUNK = 128
NCHUNK = 79
EDGES_PER_WORKER = CHUNK * NCHUNK
E_PAD = EDGES_PER_WORKER * NC * NS
N_PAD = 10112
ROWS_PER_SUB = N_PAD // NS

_mesh = plsc.VectorSubcoreMesh(core_axis_name="c", subcore_axis_name="s")

_sc_params = pltpu.CompilerParams()
if "needs_layout_passes" in pltpu.CompilerParams.__dataclass_fields__:
    _sc_params = dataclasses.replace(_sc_params, needs_layout_passes=False)
if "use_tc_tiling_on_sc" in pltpu.CompilerParams.__dataclass_fields__:
    _sc_params = dataclasses.replace(_sc_params, use_tc_tiling_on_sc=False)



@functools.partial(
    pl.kernel,
    out_type=jax.ShapeDtypeStruct((NC * NS, N_PAD), jnp.float32),
    mesh=_mesh,
    compiler_params=_sc_params,
    scratch_types=[
        pltpu.VMEM((NCHUNK, CHUNK), jnp.int32),
        pltpu.VMEM((N_PAD,), jnp.float32),
    ],
)
def _sc_deg(dst_hbm, out_hbm, dst_v, hist_v):
    cid = lax.axis_index("c")
    sid = lax.axis_index("s")
    wid = cid * NS + sid
    pltpu.sync_copy(dst_hbm.at[cid, sid], dst_v)

    @pl.loop(0, N_PAD, step=L)
    def _zero(i):
        hist_v[pl.ds(i, L)] = jnp.zeros((L,), jnp.float32)

    ones = jnp.ones((L,), jnp.float32)

    @pl.loop(0, NCHUNK)
    def _chunk(j):
        @pl.loop(0, CHUNK, step=L)
        def _vec(k):
            idx = dst_v[j, pl.ds(k, L)]
            plsc.addupdate_scatter(hist_v, [idx], ones)

    pltpu.sync_copy(hist_v, out_hbm.at[wid])



@functools.partial(
    pl.kernel,
    out_type=jax.ShapeDtypeStruct((NC, N_PAD, C_HID), jnp.float32),
    mesh=_mesh,
    compiler_params=_sc_params,
    scratch_types=[
        pltpu.VMEM((NCHUNK, CHUNK), jnp.int32),
        pltpu.VMEM((NCHUNK, CHUNK), jnp.int32),
        pltpu.VMEM((CHUNK, C_HID), jnp.float32),
        pltpu.VMEM_SHARED((N_PAD, C_HID), jnp.float32),
    ],
)
def _sc_agg(table_hbm, src_hbm, dst_hbm, zeros_hbm, out_hbm,
            src_v, dst_v, rows_v, acc_sh):
    cid = lax.axis_index("c")
    sid = lax.axis_index("s")
    pltpu.sync_copy(src_hbm.at[cid, sid], src_v)
    pltpu.sync_copy(dst_hbm.at[cid, sid], dst_v)
    base = sid * ROWS_PER_SUB
    pltpu.sync_copy(zeros_hbm.at[pl.ds(base, ROWS_PER_SUB)],
                    acc_sh.at[pl.ds(base, ROWS_PER_SUB)])
    plsc.subcore_barrier()

    @pl.loop(0, NCHUNK)
    def _chunk(j):
        pltpu.sync_copy(table_hbm.at[src_v.at[j]], rows_v)
        pltpu.sync_copy(rows_v, acc_sh.at[dst_v.at[j]], add=True)

    plsc.subcore_barrier()
    pltpu.sync_copy(acc_sh.at[pl.ds(base, ROWS_PER_SUB)],
                    out_hbm.at[cid, pl.ds(base, ROWS_PER_SUB)])



def _mm1_body(x_ref, w_ref, o_ref):
    o_ref[...] = jnp.dot(x_ref[...], w_ref[...],
                         preferred_element_type=jnp.float32)


def _scale_body(parts_ref, h1_ref, dinv_ref, t1_ref):
    deg = jnp.sum(parts_ref[...], axis=0)[:N] + 1.0
    dinv = lax.rsqrt(deg)
    dinv_ref[...] = dinv
    t1_ref[...] = h1_ref[...] * dinv[:, None]


def _gelu(v):
    return 0.5 * v * (1.0 + lax.erf(v * (2.0 ** -0.5)))


def _mid_body(agg_ref, t1_ref, dinv_ref, b1_ref, w2_ref, t2_ref):
    dinv = dinv_ref[...][:, None]
    s = agg_ref[0, :N, :] + agg_ref[1, :N, :] + t1_ref[...]
    out1 = dinv * s + b1_ref[...][None, :]
    g = _gelu(out1)
    h2 = jnp.dot(g, w2_ref[...], preferred_element_type=jnp.float32)
    t2_ref[...] = dinv * h2


def _final_body(agg_ref, t2_ref, dinv_ref, b2_ref, o_ref):
    dinv = dinv_ref[...][:, None]
    s = agg_ref[0, :N, :] + agg_ref[1, :N, :] + t2_ref[...]
    o_ref[...] = dinv * s + b2_ref[...][None, :]



def kernel(x, edge_index, W1, b1, W2, b2):
    src = edge_index[0].astype(jnp.int32)
    dst = edge_index[1].astype(jnp.int32)
    pad = E_PAD - E
    src_p = jnp.concatenate([src, jnp.zeros((pad,), jnp.int32)])
    dst_p = jnp.concatenate([dst, jnp.full((pad,), N, jnp.int32)])
    src_p = src_p.reshape(NC, NS, NCHUNK, CHUNK)
    dst_p = dst_p.reshape(NC, NS, NCHUNK, CHUNK)
    zeros = jnp.zeros((N_PAD, C_HID), jnp.float32)

    deg_parts = _sc_deg(dst_p)

    h1 = pl.pallas_call(
        _mm1_body,
        out_shape=jax.ShapeDtypeStruct((N, C_HID), jnp.float32),
    )(x, W1)

    dinv, t1 = pl.pallas_call(
        _scale_body,
        out_shape=(jax.ShapeDtypeStruct((N,), jnp.float32),
                   jax.ShapeDtypeStruct((N, C_HID), jnp.float32)),
    )(deg_parts, h1)

    agg1 = _sc_agg(t1, src_p, dst_p, zeros)

    t2 = pl.pallas_call(
        _mid_body,
        out_shape=jax.ShapeDtypeStruct((N, C_HID), jnp.float32),
    )(agg1, t1, dinv, b1, W2)

    agg2 = _sc_agg(t2, src_p, dst_p, zeros)

    out = pl.pallas_call(
        _final_body,
        out_shape=jax.ShapeDtypeStruct((N, C_HID), jnp.float32),
    )(agg2, t2, dinv, b2)

    return out

# --- scband reference (transcript-rebuilt; emitter-appended) ---
"""Pipeline reference for scband-gcnlayer-31928786879187 (READ-ONLY COPY).

The authoritative reference and input builder live on the scoring server;
editing this copy changes nothing except your own understanding.
"""

import jax, jax.numpy as jnp
import numpy as np

N_NODES = 10000
N_EDGES = 320000
IN_CH = 128
HID_CH = 32


def gcn_conv(x, edge_index, W, b):
    N = x.shape[0]
    src = edge_index[0]
    dst = edge_index[1]
    # add self-loops (PyG GCNConv default add_self_loops=True)
    loop = jnp.arange(N, dtype=edge_index.dtype)
    src = jnp.concatenate([src, loop])
    dst = jnp.concatenate([dst, loop])
    # symmetric normalization D^{-1/2} (A+I) D^{-1/2}
    deg = jnp.zeros((N,), dtype=x.dtype).at[dst].add(1.0)
    deg_inv_sqrt = jnp.where(deg > 0, 1.0 / jnp.sqrt(deg), 0.0)
    norm = deg_inv_sqrt[src] * deg_inv_sqrt[dst]
    # linear transform first (PyG order), then propagate
    h = x @ W
    msg = h[src] * norm[:, None]
    out = jnp.zeros((N, W.shape[1]), dtype=x.dtype).at[dst].add(msg)
    return out + b


def setup_inputs(seed: int = 0) -> dict:
    key = jax.random.key(seed)
    k1, k2, k3, k4 = jax.random.split(key, 4)
    x = jax.random.normal(k1, (N_NODES, IN_CH), dtype=jnp.float32)
    edge_index = jax.random.randint(k2, (2, N_EDGES), 0, N_NODES, dtype=jnp.int64)
    # learned parameters (glorot-style scaling)
    W1 = jax.random.normal(k3, (IN_CH, HID_CH), dtype=jnp.float32) * (1.0 / np.sqrt(IN_CH))
    b1 = jnp.zeros((HID_CH,), dtype=jnp.float32)
    W2 = jax.random.normal(k4, (HID_CH, HID_CH), dtype=jnp.float32) * (1.0 / np.sqrt(HID_CH))
    b2 = jnp.zeros((HID_CH,), dtype=jnp.float32)
    return {"x": x, "edge_index": edge_index, "W1": W1, "b1": b1, "W2": W2, "b2": b2}


def reference(x, edge_index, W1, b1, W2, b2):
    h = gcn_conv(x, edge_index, W1, b1)
    h = jax.nn.gelu(h, approximate=False)
    out = gcn_conv(h, edge_index, W2, b2)
    return out

if __name__ == "__main__":
    import jax
    _d = setup_inputs()
    print(jax.jit(kernel)(*tuple(_d.values())))

</pallas_src>

<mosaic_0001>
#map = affine_map<(d0, d1) -> (0, 0)>
#map1 = affine_map<(d0, d1) -> (0, 0, 0, 0)>
#map2 = affine_map<(d0, d1) -> (0, 0, 0)>
module attributes {stable_mosaic.version = 14 : i64} {
  func.func @_sc_agg(%arg0: i32, %arg1: i32, %arg2: memref<10000x32xf32, #tpu.memory_space<hbm>>, %arg3: memref<2x16x79x128xi32, #tpu.memory_space<hbm>>, %arg4: memref<2x16x79x128xi32, #tpu.memory_space<hbm>>, %arg5: memref<10112x32xf32, #tpu.memory_space<hbm>>, %arg6: memref<2x10112x32xf32, #tpu.memory_space<hbm>>, %arg7: memref<79x128xi32, #tpu.memory_space<vmem>>, %arg8: memref<79x128xi32, #tpu.memory_space<vmem>>, %arg9: memref<128x32xf32, #tpu.memory_space<vmem>>, %arg10: memref<10112x32xf32, #tpu.memory_space<vmem_shared>>) attributes {dimension_semantics = [#tpu.dimension_semantics<core_parallel>, #tpu.dimension_semantics<subcore_parallel>], iteration_bounds = array<i64: 2, 16>, scalar_prefetch = 0 : i64, scratch_operands = 4 : i64, tpu.core_type = #tpu.core_type<sc_vector_subcore>, window_params = [{transform_indices = #map}, {transform_indices = #map1}, {transform_indices = #map1}, {transform_indices = #map}, {transform_indices = #map2}]} {
    "tpu.region"() ({
      %run_scoped3A = tpu.sem_alloc : memref<!tpu.dma_semaphore, #tpu.memory_space<semaphore_mem>>
      %dma_start3A = arith.constant 0 : i32
      %dma_start3A_6 = arith.constant 0 : i32
      %dma_start3A_7 = tpu.memref_slice %arg3[%arg0, %arg1, %dma_start3A, %dma_start3A_6] : memref<2x16x79x128xi32, #tpu.memory_space<hbm>> -> memref<1x1x79x128xi32, #tpu.memory_space<hbm>>
      %dma_start3A_8 = tpu.memref_squeeze %dma_start3A_7 : memref<1x1x79x128xi32, #tpu.memory_space<hbm>> -> memref<79x128xi32, #tpu.memory_space<hbm>>
      %dma_start3A_9 = arith.constant 0 : i32
      %dma_start3A_10 = arith.constant 0 : i32
      %dma_start3A_11 = tpu.memref_slice %arg3[%arg0, %arg1, %dma_start3A_9, %dma_start3A_10] : memref<2x16x79x128xi32, #tpu.memory_space<hbm>> -> memref<1x1x79x128xi32, #tpu.memory_space<hbm>>
      %dma_start3A_12 = tpu.memref_squeeze %dma_start3A_11 : memref<1x1x79x128xi32, #tpu.memory_space<hbm>> -> memref<79x128xi32, #tpu.memory_space<hbm>>
      tpu.enqueue_dma source(%dma_start3A_12 : memref<79x128xi32, #tpu.memory_space<hbm>>) target(%arg7 : memref<79x128xi32, #tpu.memory_space<vmem>>) target_semaphore(%run_scoped3A : memref<!tpu.dma_semaphore, #tpu.memory_space<semaphore_mem>>)
      %dma_wait3A = arith.constant 0 : i32
      %dma_wait3A_13 = arith.constant 0 : i32
      %dma_wait3A_14 = tpu.memref_slice %arg3[%arg0, %arg1, %dma_wait3A, %dma_wait3A_13] : memref<2x16x79x128xi32, #tpu.memory_space<hbm>> -> memref<1x1x79x128xi32, #tpu.memory_space<hbm>>
      %dma_wait3A_15 = tpu.memref_squeeze %dma_wait3A_14 : memref<1x1x79x128xi32, #tpu.memory_space<hbm>> -> memref<79x128xi32, #tpu.memory_space<hbm>>
      %dma_wait3A_16 = arith.constant 0 : i32
      %dma_wait3A_17 = arith.constant 0 : i32
      %dma_wait3A_18 = tpu.memref_slice %arg3[%arg0, %arg1, %dma_wait3A_16, %dma_wait3A_17] : memref<2x16x79x128xi32, #tpu.memory_space<hbm>> -> memref<1x1x79x128xi32, #tpu.memory_space<hbm>>
      %dma_wait3A_19 = tpu.memref_squeeze %dma_wait3A_18 : memref<1x1x79x128xi32, #tpu.memory_space<hbm>> -> memref<79x128xi32, #tpu.memory_space<hbm>>
      tpu.wait_dma2 semaphore(%run_scoped3A : memref<!tpu.dma_semaphore, #tpu.memory_space<semaphore_mem>>) src(%dma_wait3A_19 : memref<79x128xi32, #tpu.memory_space<hbm>>) dst(%arg7 : memref<79x128xi32, #tpu.memory_space<vmem>>)
      tpu.yield
    }) : () -> ()
    "tpu.region"() ({
      %run_scoped3A = tpu.sem_alloc : memref<!tpu.dma_semaphore, #tpu.memory_space<semaphore_mem>>
      %dma_start3A = arith.constant 0 : i32
      %dma_start3A_6 = arith.constant 0 : i32
      %dma_start3A_7 = tpu.memref_slice %arg4[%arg0, %arg1, %dma_start3A, %dma_start3A_6] : memref<2x16x79x128xi32, #tpu.memory_space<hbm>> -> memref<1x1x79x128xi32, #tpu.memory_space<hbm>>
      %dma_start3A_8 = tpu.memref_squeeze %dma_start3A_7 : memref<1x1x79x128xi32, #tpu.memory_space<hbm>> -> memref<79x128xi32, #tpu.memory_space<hbm>>
      %dma_start3A_9 = arith.constant 0 : i32
      %dma_start3A_10 = arith.constant 0 : i32
      %dma_start3A_11 = tpu.memref_slice %arg4[%arg0, %arg1, %dma_start3A_9, %dma_start3A_10] : memref<2x16x79x128xi32, #tpu.memory_space<hbm>> -> memref<1x1x79x128xi32, #tpu.memory_space<hbm>>
      %dma_start3A_12 = tpu.memref_squeeze %dma_start3A_11 : memref<1x1x79x128xi32, #tpu.memory_space<hbm>> -> memref<79x128xi32, #tpu.memory_space<hbm>>
      tpu.enqueue_dma source(%dma_start3A_12 : memref<79x128xi32, #tpu.memory_space<hbm>>) target(%arg8 : memref<79x128xi32, #tpu.memory_space<vmem>>) target_semaphore(%run_scoped3A : memref<!tpu.dma_semaphore, #tpu.memory_space<semaphore_mem>>)
      %dma_wait3A = arith.constant 0 : i32
      %dma_wait3A_13 = arith.constant 0 : i32
      %dma_wait3A_14 = tpu.memref_slice %arg4[%arg0, %arg1, %dma_wait3A, %dma_wait3A_13] : memref<2x16x79x128xi32, #tpu.memory_space<hbm>> -> memref<1x1x79x128xi32, #tpu.memory_space<hbm>>
      %dma_wait3A_15 = tpu.memref_squeeze %dma_wait3A_14 : memref<1x1x79x128xi32, #tpu.memory_space<hbm>> -> memref<79x128xi32, #tpu.memory_space<hbm>>
      %dma_wait3A_16 = arith.constant 0 : i32
      %dma_wait3A_17 = arith.constant 0 : i32
      %dma_wait3A_18 = tpu.memref_slice %arg4[%arg0, %arg1, %dma_wait3A_16, %dma_wait3A_17] : memref<2x16x79x128xi32, #tpu.memory_space<hbm>> -> memref<1x1x79x128xi32, #tpu.memory_space<hbm>>
      %dma_wait3A_19 = tpu.memref_squeeze %dma_wait3A_18 : memref<1x1x79x128xi32, #tpu.memory_space<hbm>> -> memref<79x128xi32, #tpu.memory_space<hbm>>
      tpu.wait_dma2 semaphore(%run_scoped3A : memref<!tpu.dma_semaphore, #tpu.memory_space<semaphore_mem>>) src(%dma_wait3A_19 : memref<79x128xi32, #tpu.memory_space<hbm>>) dst(%arg8 : memref<79x128xi32, #tpu.memory_space<vmem>>)
      tpu.yield
    }) : () -> ()
    %mul3A = arith.constant 632 : i32
    %mul3A_0 = arith.muli %arg1, %mul3A : i32
    "tpu.region"() ({
      %run_scoped3A = tpu.sem_alloc : memref<!tpu.dma_semaphore, #tpu.memory_space<semaphore_mem>>
      %dma_start3A = arith.constant 0 : i32
      %dma_start3A_6 = tpu.memref_slice %arg10[%mul3A_0, %dma_start3A] : memref<10112x32xf32, #tpu.memory_space<vmem_shared>> -> memref<632x32xf32, #tpu.memory_space<vmem_shared>>
      %dma_start3A_7 = arith.constant 0 : i32
      %dma_start3A_8 = tpu.memref_slice %arg5[%mul3A_0, %dma_start3A_7] : memref<10112x32xf32, #tpu.memory_space<hbm>> -> memref<632x32xf32, #tpu.memory_space<hbm>>
      tpu.enqueue_dma source(%dma_start3A_8 : memref<632x32xf32, #tpu.memory_space<hbm>>) target(%dma_start3A_6 : memref<632x32xf32, #tpu.memory_space<vmem_shared>>) target_semaphore(%run_scoped3A : memref<!tpu.dma_semaphore, #tpu.memory_space<semaphore_mem>>)
      %dma_wait3A = arith.constant 0 : i32
      %dma_wait3A_9 = tpu.memref_slice %arg10[%mul3A_0, %dma_wait3A] : memref<10112x32xf32, #tpu.memory_space<vmem_shared>> -> memref<632x32xf32, #tpu.memory_space<vmem_shared>>
      %dma_wait3A_10 = arith.constant 0 : i32
      %dma_wait3A_11 = tpu.memref_slice %arg5[%mul3A_0, %dma_wait3A_10] : memref<10112x32xf32, #tpu.memory_space<hbm>> -> memref<632x32xf32, #tpu.memory_space<hbm>>
      tpu.wait_dma2 semaphore(%run_scoped3A : memref<!tpu.dma_semaphore, #tpu.memory_space<semaphore_mem>>) src(%dma_wait3A_11 : memref<632x32xf32, #tpu.memory_space<hbm>>) dst(%dma_wait3A_9 : memref<632x32xf32, #tpu.memory_space<vmem_shared>>)
      tpu.yield
    }) : () -> ()
    %barrier3A = arith.constant 0 : index
    tpu.barrier barrier_id(%barrier3A)
    %scan3A = arith.constant 0 : i32
    %scan3A_1 = arith.constant 79 : i32
    %scan3A_2 = arith.addi %scan3A, %scan3A_1 : i32
    %scan3A_3 = arith.constant 1 : i32
    scf.for %scan3A_6 = %scan3A to %scan3A_2 step %scan3A_3  : i32 {
      %mul3A_7 = arith.constant 1 : i32
      %mul3A_8 = arith.muli %scan3A_6, %mul3A_7 : i32
      %add3A = arith.constant 0 : i32
      %add3A_9 = arith.addi %add3A, %mul3A_8 : i32
      "tpu.region"() ({
        %run_scoped3A = tpu.sem_alloc : memref<!tpu.dma_semaphore, #tpu.memory_space<semaphore_mem>>
        %dma_start3A = arith.constant 0 : i32
        %dma_start3A_10 = tpu.memref_slice %arg7[%add3A_9, %dma_start3A] : memref<79x128xi32, #tpu.memory_space<vmem>> -> memref<1x128xi32, #tpu.memory_space<vmem>>
        %dma_start3A_11 = tpu.memref_squeeze %dma_start3A_10 : memref<1x128xi32, #tpu.memory_space<vmem>> -> memref<128xi32, #tpu.memory_space<vmem>>
        %dma_start3A_12 = arith.constant 0 : i32
        %dma_start3A_13 = arith.constant 0 : i32
        %dma_start3A_14 = tpu.memref_slice %arg2[%dma_start3A_12, %dma_start3A_13] : memref<10000x32xf32, #tpu.memory_space<hbm>> -> memref<10000x32xf32, #tpu.memory_space<hbm>>
        tpu.enqueue_indirect_dma source(%dma_start3A_14 : memref<10000x32xf32, #tpu.memory_space<hbm>>) target(%arg9 : memref<128x32xf32, #tpu.memory_space<vmem>>) offsets(%dma_start3A_11 : memref<128xi32, #tpu.memory_space<vmem>>) semaphore(%run_scoped3A : memref<!tpu.dma_semaphore, #tpu.memory_space<semaphore_mem>>)
        %dma_wait3A = arith.constant 0 : i32
        %dma_wait3A_15 = tpu.memref_slice %arg7[%add3A_9, %dma_wait3A] : memref<79x128xi32, #tpu.memory_space<vmem>> -> memref<1x128xi32, #tpu.memory_space<vmem>>
        %dma_wait3A_16 = tpu.memref_squeeze %dma_wait3A_15 : memref<1x128xi32, #tpu.memory_space<vmem>> -> memref<128xi32, #tpu.memory_space<vmem>>
        %dma_wait3A_17 = arith.constant 0 : i32
        %dma_wait3A_18 = arith.constant 0 : i32
        %dma_wait3A_19 = tpu.memref_slice %arg2[%dma_wait3A_17, %dma_wait3A_18] : memref<10000x32xf32, #tpu.memory_space<hbm>> -> memref<10000x32xf32, #tpu.memory_space<hbm>>
        tpu.wait_indirect_dma semaphore(%run_scoped3A : memref<!tpu.dma_semaphore, #tpu.memory_space<semaphore_mem>>) src(%dma_wait3A_19 : memref<10000x32xf32, #tpu.memory_space<hbm>>) dst(%arg9 : memref<128x32xf32, #tpu.memory_space<vmem>>)
        tpu.yield
      }) : () -> ()
      "tpu.region"() ({
        %run_scoped3A = tpu.sem_alloc : memref<!tpu.dma_semaphore, #tpu.memory_space<semaphore_mem>>
        %dma_start3A = arith.constant 0 : i32
        %dma_start3A_10 = tpu.memref_slice %arg8[%add3A_9, %dma_start3A] : memref<79x128xi32, #tpu.memory_space<vmem>> -> memref<1x128xi32, #tpu.memory_space<vmem>>
        %dma_start3A_11 = tpu.memref_squeeze %dma_start3A_10 : memref<1x128xi32, #tpu.memory_space<vmem>> -> memref<128xi32, #tpu.memory_space<vmem>>
        %dma_start3A_12 = arith.constant 0 : i32
        %dma_start3A_13 = arith.constant 0 : i32
        %dma_start3A_14 = tpu.memref_slice %arg10[%dma_start3A_12, %dma_start3A_13] : memref<10112x32xf32, #tpu.memory_space<vmem_shared>> -> memref<10112x32xf32, #tpu.memory_space<vmem_shared>>
        tpu.enqueue_indirect_dma source(%arg9 : memref<128x32xf32, #tpu.memory_space<vmem>>) target(%dma_start3A_14 : memref<10112x32xf32, #tpu.memory_space<vmem_shared>>) offsets(%dma_start3A_11 : memref<128xi32, #tpu.memory_space<vmem>>) semaphore(%run_scoped3A : memref<!tpu.dma_semaphore, #tpu.memory_space<semaphore_mem>>) {add = true}
        %dma_wait3A = arith.constant 0 : i32
        %dma_wait3A_15 = tpu.memref_slice %arg8[%add3A_9, %dma_wait3A] : memref<79x128xi32, #tpu.memory_space<vmem>> -> memref<1x128xi32, #tpu.memory_space<vmem>>
        %dma_wait3A_16 = tpu.memref_squeeze %dma_wait3A_15 : memref<1x128xi32, #tpu.memory_space<vmem>> -> memref<128xi32, #tpu.memory_space<vmem>>
        %dma_wait3A_17 = arith.constant 0 : i32
        %dma_wait3A_18 = arith.constant 0 : i32
        %dma_wait3A_19 = tpu.memref_slice %arg10[%dma_wait3A_17, %dma_wait3A_18] : memref<10112x32xf32, #tpu.memory_space<vmem_shared>> -> memref<10112x32xf32, #tpu.memory_space<vmem_shared>>
        tpu.wait_indirect_dma semaphore(%run_scoped3A : memref<!tpu.dma_semaphore, #tpu.memory_space<semaphore_mem>>) src(%arg9 : memref<128x32xf32, #tpu.memory_space<vmem>>) dst(%dma_wait3A_19 : memref<10112x32xf32, #tpu.memory_space<vmem_shared>>)
        tpu.yield
      }) : () -> ()
    }
    %scan3A_4 = arith.constant 79 : i32
    %barrier3A_5 = arith.constant 0 : index
    tpu.barrier barrier_id(%barrier3A_5)
    "tpu.region"() ({
      %run_scoped3A = tpu.sem_alloc : memref<!tpu.dma_semaphore, #tpu.memory_space<semaphore_mem>>
      %dma_start3A = arith.constant 0 : i32
      %dma_start3A_6 = tpu.memref_slice %arg6[%arg0, %mul3A_0, %dma_start3A] : memref<2x10112x32xf32, #tpu.memory_space<hbm>> -> memref<1x632x32xf32, #tpu.memory_space<hbm>>
      %dma_start3A_7 = tpu.memref_squeeze %dma_start3A_6 : memref<1x632x32xf32, #tpu.memory_space<hbm>> -> memref<632x32xf32, #tpu.memory_space<hbm>>
      %dma_start3A_8 = arith.constant 0 : i32
      %dma_start3A_9 = tpu.memref_slice %arg10[%mul3A_0, %dma_start3A_8] : memref<10112x32xf32, #tpu.memory_space<vmem_shared>> -> memref<632x32xf32, #tpu.memory_space<vmem_shared>>
      tpu.enqueue_dma source(%dma_start3A_9 : memref<632x32xf32, #tpu.memory_space<vmem_shared>>) target(%dma_start3A_7 : memref<632x32xf32, #tpu.memory_space<hbm>>) target_semaphore(%run_scoped3A : memref<!tpu.dma_semaphore, #tpu.memory_space<semaphore_mem>>)
      %dma_wait3A = arith.constant 0 : i32
      %dma_wait3A_10 = tpu.memref_slice %arg6[%arg0, %mul3A_0, %dma_wait3A] : memref<2x10112x32xf32, #tpu.memory_space<hbm>> -> memref<1x632x32xf32, #tpu.memory_space<hbm>>
      %dma_wait3A_11 = tpu.memref_squeeze %dma_wait3A_10 : memref<1x632x32xf32, #tpu.memory_space<hbm>> -> memref<632x32xf32, #tpu.memory_space<hbm>>
      %dma_wait3A_12 = arith.constant 0 : i32
      %dma_wait3A_13 = tpu.memref_slice %arg10[%mul3A_0, %dma_wait3A_12] : memref<10112x32xf32, #tpu.memory_space<vmem_shared>> -> memref<632x32xf32, #tpu.memory_space<vmem_shared>>
      tpu.wait_dma2 semaphore(%run_scoped3A : memref<!tpu.dma_semaphore, #tpu.memory_space<semaphore_mem>>) src(%dma_wait3A_13 : memref<632x32xf32, #tpu.memory_space<vmem_shared>>) dst(%dma_wait3A_11 : memref<632x32xf32, #tpu.memory_space<hbm>>)
      tpu.yield
    }) : () -> ()
    return
  }
}

#map = affine_map<(d0, d1) -> (0, 0, 0, 0)>
#map1 = affine_map<(d0, d1) -> (0, 0)>
module attributes {stable_mosaic.version = 14 : i64} {
  func.func @_sc_deg(%arg0: i32, %arg1: i32, %arg2: memref<2x16x79x128xi32, #tpu.memory_space<hbm>>, %arg3: memref<32x10112xf32, #tpu.memory_space<hbm>>, %arg4: memref<79x128xi32, #tpu.memory_space<vmem>>, %arg5: memref<10112xf32, #tpu.memory_space<vmem>>) attributes {dimension_semantics = [#tpu.dimension_semantics<core_parallel>, #tpu.dimension_semantics<subcore_parallel>], iteration_bounds = array<i64: 2, 16>, scalar_prefetch = 0 : i64, scratch_operands = 2 : i64, tpu.core_type = #tpu.core_type<sc_vector_subcore>, window_params = [{transform_indices = #map}, {transform_indices = #map1}]} {
    %mul3A = arith.constant 16 : i32
    %mul3A_0 = arith.muli %arg0, %mul3A : i32
    %add3A = arith.addi %mul3A_0, %arg1 : i32
    "tpu.region"() ({
      %run_scoped3A = tpu.sem_alloc : memref<!tpu.dma_semaphore, #tpu.memory_space<semaphore_mem>>
      %dma_start3A = arith.constant 0 : i32
      %dma_start3A_11 = arith.constant 0 : i32
      %dma_start3A_12 = tpu.memref_slice %arg2[%arg0, %arg1, %dma_start3A, %dma_start3A_11] : memref<2x16x79x128xi32, #tpu.memory_space<hbm>> -> memref<1x1x79x128xi32, #tpu.memory_space<hbm>>
      %dma_start3A_13 = tpu.memref_squeeze %dma_start3A_12 : memref<1x1x79x128xi32, #tpu.memory_space<hbm>> -> memref<79x128xi32, #tpu.memory_space<hbm>>
      %dma_start3A_14 = arith.constant 0 : i32
      %dma_start3A_15 = arith.constant 0 : i32
      %dma_start3A_16 = tpu.memref_slice %arg2[%arg0, %arg1, %dma_start3A_14, %dma_start3A_15] : memref<2x16x79x128xi32, #tpu.memory_space<hbm>> -> memref<1x1x79x128xi32, #tpu.memory_space<hbm>>
      %dma_start3A_17 = tpu.memref_squeeze %dma_start3A_16 : memref<1x1x79x128xi32, #tpu.memory_space<hbm>> -> memref<79x128xi32, #tpu.memory_space<hbm>>
      tpu.enqueue_dma source(%dma_start3A_17 : memref<79x128xi32, #tpu.memory_space<hbm>>) target(%arg4 : memref<79x128xi32, #tpu.memory_space<vmem>>) target_semaphore(%run_scoped3A : memref<!tpu.dma_semaphore, #tpu.memory_space<semaphore_mem>>)
      %dma_wait3A = arith.constant 0 : i32
      %dma_wait3A_18 = arith.constant 0 : i32
      %dma_wait3A_19 = tpu.memref_slice %arg2[%arg0, %arg1, %dma_wait3A, %dma_wait3A_18] : memref<2x16x79x128xi32, #tpu.memory_space<hbm>> -> memref<1x1x79x128xi32, #tpu.memory_space<hbm>>
      %dma_wait3A_20 = tpu.memref_squeeze %dma_wait3A_19 : memref<1x1x79x128xi32, #tpu.memory_space<hbm>> -> memref<79x128xi32, #tpu.memory_space<hbm>>
      %dma_wait3A_21 = arith.constant 0 : i32
      %dma_wait3A_22 = arith.constant 0 : i32
      %dma_wait3A_23 = tpu.memref_slice %arg2[%arg0, %arg1, %dma_wait3A_21, %dma_wait3A_22] : memref<2x16x79x128xi32, #tpu.memory_space<hbm>> -> memref<1x1x79x128xi32, #tpu.memory_space<hbm>>
      %dma_wait3A_24 = tpu.memref_squeeze %dma_wait3A_23 : memref<1x1x79x128xi32, #tpu.memory_space<hbm>> -> memref<79x128xi32, #tpu.memory_space<hbm>>
      tpu.wait_dma2 semaphore(%run_scoped3A : memref<!tpu.dma_semaphore, #tpu.memory_space<semaphore_mem>>) src(%dma_wait3A_24 : memref<79x128xi32, #tpu.memory_space<hbm>>) dst(%arg4 : memref<79x128xi32, #tpu.memory_space<vmem>>)
      tpu.yield
    }) : () -> ()
    %scan3A = arith.constant 0 : i32
    %scan3A_1 = arith.constant 632 : i32
    %scan3A_2 = arith.addi %scan3A, %scan3A_1 : i32
    %scan3A_3 = arith.constant 1 : i32
    scf.for %scan3A_11 = %scan3A to %scan3A_2 step %scan3A_3  : i32 {
      %mul3A_12 = arith.constant 16 : i32
      %mul3A_13 = arith.muli %scan3A_11, %mul3A_12 : i32
      %add3A_14 = arith.constant 0 : i32
      %add3A_15 = arith.addi %add3A_14, %mul3A_13 : i32
      %broadcast_in_dim3A_16 = arith.constant 0.000000e+00 : f32
      %broadcast_in_dim3A_17 = vector.broadcast %broadcast_in_dim3A_16 : f32 to vector<16xf32>
      %swap3A = arith.index_cast %add3A_15 : i32 to index
      %swap3A_18 = tpu.vector_load %arg5[%swap3A] {strides = array<i32>} : memref<10112xf32, #tpu.memory_space<vmem>>, vector<16xf32>,
      tpu.vector_store %arg5[%swap3A], %broadcast_in_dim3A_17 {strides = array<i32>} : memref<10112xf32, #tpu.memory_space<vmem>>, vector<16xf32>,
    }
    %scan3A_4 = arith.constant 632 : i32
    %broadcast_in_dim3A = arith.constant 1.000000e+00 : f32
    %broadcast_in_dim3A_5 = vector.broadcast %broadcast_in_dim3A : f32 to vector<16xf32>
    %scan3A_6 = arith.constant 0 : i32
    %scan3A_7 = arith.constant 79 : i32
    %scan3A_8 = arith.addi %scan3A_6, %scan3A_7 : i32
    %scan3A_9 = arith.constant 1 : i32
    scf.for %scan3A_11 = %scan3A_6 to %scan3A_8 step %scan3A_9  : i32 {
      %mul3A_12 = arith.constant 1 : i32
      %mul3A_13 = arith.muli %scan3A_11, %mul3A_12 : i32
      %add3A_14 = arith.constant 0 : i32
      %add3A_15 = arith.addi %add3A_14, %mul3A_13 : i32
      %scan3A_16 = arith.constant 0 : i32
      %scan3A_17 = arith.constant 8 : i32
      %scan3A_18 = arith.addi %scan3A_16, %scan3A_17 : i32
      %scan3A_19 = arith.constant 1 : i32
      scf.for %scan3A_21 = %scan3A_16 to %scan3A_18 step %scan3A_19  : i32 {
        %mul3A_22 = arith.constant 16 : i32
        %mul3A_23 = arith.muli %scan3A_21, %mul3A_22 : i32
        %add3A_24 = arith.constant 0 : i32
        %add3A_25 = arith.addi %add3A_24, %mul3A_23 : i32
        %get3A = arith.index_cast %add3A_15 : i32 to index
        %get3A_26 = arith.index_cast %add3A_25 : i32 to index
        %get3A_27 = tpu.vector_load %arg4[%get3A, %get3A_26] {strides = array<i32>} : memref<79x128xi32, #tpu.memory_space<vmem>>, vector<16xi32>,
        tpu.vector_store_idx %arg5[%get3A_27], %broadcast_in_dim3A_5 {add = true} : memref<10112xf32, #tpu.memory_space<vmem>>[vector<16xi32>], vector<16xf32>,
      }
      %scan3A_20 = arith.constant 8 : i32
    }
    %scan3A_10 = arith.constant 79 : i32
    "tpu.region"() ({
      %run_scoped3A = tpu.sem_alloc : memref<!tpu.dma_semaphore, #tpu.memory_space<semaphore_mem>>
      %dma_start3A = arith.constant 0 : i32
      %dma_start3A_11 = tpu.memref_slice %arg3[%add3A, %dma_start3A] : memref<32x10112xf32, #tpu.memory_space<hbm>> -> memref<1x10112xf32, #tpu.memory_space<hbm>>
      %dma_start3A_12 = tpu.memref_squeeze %dma_start3A_11 : memref<1x10112xf32, #tpu.memory_space<hbm>> -> memref<10112xf32, #tpu.memory_space<hbm>>
      %dma_start3A_13 = arith.constant 0 : i32
      %dma_start3A_14 = tpu.memref_slice %arg3[%add3A, %dma_start3A_13] : memref<32x10112xf32, #tpu.memory_space<hbm>> -> memref<1x10112xf32, #tpu.memory_space<hbm>>
      %dma_start3A_15 = tpu.memref_squeeze %dma_start3A_14 : memref<1x10112xf32, #tpu.memory_space<hbm>> -> memref<10112xf32, #tpu.memory_space<hbm>>
      tpu.enqueue_dma source(%arg5 : memref<10112xf32, #tpu.memory_space<vmem>>) target(%dma_start3A_15 : memref<10112xf32, #tpu.memory_space<hbm>>) target_semaphore(%run_scoped3A : memref<!tpu.dma_semaphore, #tpu.memory_space<semaphore_mem>>)
      %dma_wait3A = arith.constant 0 : i32
      %dma_wait3A_16 = tpu.memref_slice %arg3[%add3A, %dma_wait3A] : memref<32x10112xf32, #tpu.memory_space<hbm>> -> memref<1x10112xf32, #tpu.memory_space<hbm>>
      %dma_wait3A_17 = tpu.memref_squeeze %dma_wait3A_16 : memref<1x10112xf32, #tpu.memory_space<hbm>> -> memref<10112xf32, #tpu.memory_space<hbm>>
      %dma_wait3A_18 = arith.constant 0 : i32
      %dma_wait3A_19 = tpu.memref_slice %arg3[%add3A, %dma_wait3A_18] : memref<32x10112xf32, #tpu.memory_space<hbm>> -> memref<1x10112xf32, #tpu.memory_space<hbm>>
      %dma_wait3A_20 = tpu.memref_squeeze %dma_wait3A_19 : memref<1x10112xf32, #tpu.memory_space<hbm>> -> memref<10112xf32, #tpu.memory_space<hbm>>
      tpu.wait_dma2 semaphore(%run_scoped3A : memref<!tpu.dma_semaphore, #tpu.memory_space<semaphore_mem>>) src(%arg5 : memref<10112xf32, #tpu.memory_space<vmem>>) dst(%dma_wait3A_20 : memref<10112xf32, #tpu.memory_space<hbm>>)
      tpu.yield
    }) : () -> ()
    return
  }
}

#map = affine_map<(d0, d1) -> (0, 0)>
#map1 = affine_map<(d0, d1) -> (0, 0, 0, 0)>
#map2 = affine_map<(d0, d1) -> (0, 0, 0)>
module attributes {stable_mosaic.version = 14 : i64} {
  func.func @_sc_agg(%arg0: i32, %arg1: i32, %arg2: memref<10000x32xf32, #tpu.memory_space<hbm>>, %arg3: memref<2x16x79x128xi32, #tpu.memory_space<hbm>>, %arg4: memref<2x16x79x128xi32, #tpu.memory_space<hbm>>, %arg5: memref<10112x32xf32, #tpu.memory_space<hbm>>, %arg6: memref<2x10112x32xf32, #tpu.memory_space<hbm>>, %arg7: memref<79x128xi32, #tpu.memory_space<vmem>>, %arg8: memref<79x128xi32, #tpu.memory_space<vmem>>, %arg9: memref<128x32xf32, #tpu.memory_space<vmem>>, %arg10: memref<10112x32xf32, #tpu.memory_space<vmem_shared>>) attributes {dimension_semantics = [#tpu.dimension_semantics<core_parallel>, #tpu.dimension_semantics<subcore_parallel>], iteration_bounds = array<i64: 2, 16>, scalar_prefetch = 0 : i64, scratch_operands = 4 : i64, tpu.core_type = #tpu.core_type<sc_vector_subcore>, window_params = [{transform_indices = #map}, {transform_indices = #map1}, {transform_indices = #map1}, {transform_indices = #map}, {transform_indices = #map2}]} {
    "tpu.region"() ({
      %run_scoped3A = tpu.sem_alloc : memref<!tpu.dma_semaphore, #tpu.memory_space<semaphore_mem>>
      %dma_start3A = arith.constant 0 : i32
      %dma_start3A_6 = arith.constant 0 : i32
      %dma_start3A_7 = tpu.memref_slice %arg3[%arg0, %arg1, %dma_start3A, %dma_start3A_6] : memref<2x16x79x128xi32, #tpu.memory_space<hbm>> -> memref<1x1x79x128xi32, #tpu.memory_space<hbm>>
      %dma_start3A_8 = tpu.memref_squeeze %dma_start3A_7 : memref<1x1x79x128xi32, #tpu.memory_space<hbm>> -> memref<79x128xi32, #tpu.memory_space<hbm>>
      %dma_start3A_9 = arith.constant 0 : i32
      %dma_start3A_10 = arith.constant 0 : i32
      %dma_start3A_11 = tpu.memref_slice %arg3[%arg0, %arg1, %dma_start3A_9, %dma_start3A_10] : memref<2x16x79x128xi32, #tpu.memory_space<hbm>> -> memref<1x1x79x128xi32, #tpu.memory_space<hbm>>
      %dma_start3A_12 = tpu.memref_squeeze %dma_start3A_11 : memref<1x1x79x128xi32, #tpu.memory_space<hbm>> -> memref<79x128xi32, #tpu.memory_space<hbm>>
      tpu.enqueue_dma source(%dma_start3A_12 : memref<79x128xi32, #tpu.memory_space<hbm>>) target(%arg7 : memref<79x128xi32, #tpu.memory_space<vmem>>) target_semaphore(%run_scoped3A : memref<!tpu.dma_semaphore, #tpu.memory_space<semaphore_mem>>)
      %dma_wait3A = arith.constant 0 : i32
      %dma_wait3A_13 = arith.constant 0 : i32
      %dma_wait3A_14 = tpu.memref_slice %arg3[%arg0, %arg1, %dma_wait3A, %dma_wait3A_13] : memref<2x16x79x128xi32, #tpu.memory_space<hbm>> -> memref<1x1x79x128xi32, #tpu.memory_space<hbm>>
      %dma_wait3A_15 = tpu.memref_squeeze %dma_wait3A_14 : memref<1x1x79x128xi32, #tpu.memory_space<hbm>> -> memref<79x128xi32, #tpu.memory_space<hbm>>
      %dma_wait3A_16 = arith.constant 0 : i32
      %dma_wait3A_17 = arith.constant 0 : i32
      %dma_wait3A_18 = tpu.memref_slice %arg3[%arg0, %arg1, %dma_wait3A_16, %dma_wait3A_17] : memref<2x16x79x128xi32, #tpu.memory_space<hbm>> -> memref<1x1x79x128xi32, #tpu.memory_space<hbm>>
      %dma_wait3A_19 = tpu.memref_squeeze %dma_wait3A_18 : memref<1x1x79x128xi32, #tpu.memory_space<hbm>> -> memref<79x128xi32, #tpu.memory_space<hbm>>
      tpu.wait_dma2 semaphore(%run_scoped3A : memref<!tpu.dma_semaphore, #tpu.memory_space<semaphore_mem>>) src(%dma_wait3A_19 : memref<79x128xi32, #tpu.memory_space<hbm>>) dst(%arg7 : memref<79x128xi32, #tpu.memory_space<vmem>>)
      tpu.yield
    }) : () -> ()
    "tpu.region"() ({
      %run_scoped3A = tpu.sem_alloc : memref<!tpu.dma_semaphore, #tpu.memory_space<semaphore_mem>>
      %dma_start3A = arith.constant 0 : i32
      %dma_start3A_6 = arith.constant 0 : i32
      %dma_start3A_7 = tpu.memref_slice %arg4[%arg0, %arg1, %dma_start3A, %dma_start3A_6] : memref<2x16x79x128xi32, #tpu.memory_space<hbm>> -> memref<1x1x79x128xi32, #tpu.memory_space<hbm>>
      %dma_start3A_8 = tpu.memref_squeeze %dma_start3A_7 : memref<1x1x79x128xi32, #tpu.memory_space<hbm>> -> memref<79x128xi32, #tpu.memory_space<hbm>>
      %dma_start3A_9 = arith.constant 0 : i32
      %dma_start3A_10 = arith.constant 0 : i32
      %dma_start3A_11 = tpu.memref_slice %arg4[%arg0, %arg1, %dma_start3A_9, %dma_start3A_10] : memref<2x16x79x128xi32, #tpu.memory_space<hbm>> -> memref<1x1x79x128xi32, #tpu.memory_space<hbm>>
      %dma_start3A_12 = tpu.memref_squeeze %dma_start3A_11 : memref<1x1x79x128xi32, #tpu.memory_space<hbm>> -> memref<79x128xi32, #tpu.memory_space<hbm>>
      tpu.enqueue_dma source(%dma_start3A_12 : memref<79x128xi32, #tpu.memory_space<hbm>>) target(%arg8 : memref<79x128xi32, #tpu.memory_space<vmem>>) target_semaphore(%run_scoped3A : memref<!tpu.dma_semaphore, #tpu.memory_space<semaphore_mem>>)
      %dma_wait3A = arith.constant 0 : i32
      %dma_wait3A_13 = arith.constant 0 : i32
      %dma_wait3A_14 = tpu.memref_slice %arg4[%arg0, %arg1, %dma_wait3A, %dma_wait3A_13] : memref<2x16x79x128xi32, #tpu.memory_space<hbm>> -> memref<1x1x79x128xi32, #tpu.memory_space<hbm>>
      %dma_wait3A_15 = tpu.memref_squeeze %dma_wait3A_14 : memref<1x1x79x128xi32, #tpu.memory_space<hbm>> -> memref<79x128xi32, #tpu.memory_space<hbm>>
      %dma_wait3A_16 = arith.constant 0 : i32
      %dma_wait3A_17 = arith.constant 0 : i32
      %dma_wait3A_18 = tpu.memref_slice %arg4[%arg0, %arg1, %dma_wait3A_16, %dma_wait3A_17] : memref<2x16x79x128xi32, #tpu.memory_space<hbm>> -> memref<1x1x79x128xi32, #tpu.memory_space<hbm>>
      %dma_wait3A_19 = tpu.memref_squeeze %dma_wait3A_18 : memref<1x1x79x128xi32, #tpu.memory_space<hbm>> -> memref<79x128xi32, #tpu.memory_space<hbm>>
      tpu.wait_dma2 semaphore(%run_scoped3A : memref<!tpu.dma_semaphore, #tpu.memory_space<semaphore_mem>>) src(%dma_wait3A_19 : memref<79x128xi32, #tpu.memory_space<hbm>>) dst(%arg8 : memref<79x128xi32, #tpu.memory_space<vmem>>)
      tpu.yield
    }) : () -> ()
    %mul3A = arith.constant 632 : i32
    %mul3A_0 = arith.muli %arg1, %mul3A : i32
    "tpu.region"() ({
      %run_scoped3A = tpu.sem_alloc : memref<!tpu.dma_semaphore, #tpu.memory_space<semaphore_mem>>
      %dma_start3A = arith.constant 0 : i32
      %dma_start3A_6 = tpu.memref_slice %arg10[%mul3A_0, %dma_start3A] : memref<10112x32xf32, #tpu.memory_space<vmem_shared>> -> memref<632x32xf32, #tpu.memory_space<vmem_shared>>
      %dma_start3A_7 = arith.constant 0 : i32
      %dma_start3A_8 = tpu.memref_slice %arg5[%mul3A_0, %dma_start3A_7] : memref<10112x32xf32, #tpu.memory_space<hbm>> -> memref<632x32xf32, #tpu.memory_space<hbm>>
      tpu.enqueue_dma source(%dma_start3A_8 : memref<632x32xf32, #tpu.memory_space<hbm>>) target(%dma_start3A_6 : memref<632x32xf32, #tpu.memory_space<vmem_shared>>) target_semaphore(%run_scoped3A : memref<!tpu.dma_semaphore, #tpu.memory_space<semaphore_mem>>)
      %dma_wait3A = arith.constant 0 : i32
      %dma_wait3A_9 = tpu.memref_slice %arg10[%mul3A_0, %dma_wait3A] : memref<10112x32xf32, #tpu.memory_space<vmem_shared>> -> memref<632x32xf32, #tpu.memory_space<vmem_shared>>
      %dma_wait3A_10 = arith.constant 0 : i32
      %dma_wait3A_11 = tpu.memref_slice %arg5[%mul3A_0, %dma_wait3A_10] : memref<10112x32xf32, #tpu.memory_space<hbm>> -> memref<632x32xf32, #tpu.memory_space<hbm>>
      tpu.wait_dma2 semaphore(%run_scoped3A : memref<!tpu.dma_semaphore, #tpu.memory_space<semaphore_mem>>) src(%dma_wait3A_11 : memref<632x32xf32, #tpu.memory_space<hbm>>) dst(%dma_wait3A_9 : memref<632x32xf32, #tpu.memory_space<vmem_shared>>)
      tpu.yield
    }) : () -> ()
    %barrier3A = arith.constant 0 : index
    tpu.barrier barrier_id(%barrier3A)
    %scan3A = arith.constant 0 : i32
    %scan3A_1 = arith.constant 79 : i32
    %scan3A_2 = arith.addi %scan3A, %scan3A_1 : i32
    %scan3A_3 = arith.constant 1 : i32
    scf.for %scan3A_6 = %scan3A to %scan3A_2 step %scan3A_3  : i32 {
      %mul3A_7 = arith.constant 1 : i32
      %mul3A_8 = arith.muli %scan3A_6, %mul3A_7 : i32
      %add3A = arith.constant 0 : i32
      %add3A_9 = arith.addi %add3A, %mul3A_8 : i32
      "tpu.region"() ({
        %run_scoped3A = tpu.sem_alloc : memref<!tpu.dma_semaphore, #tpu.memory_space<semaphore_mem>>
        %dma_start3A = arith.constant 0 : i32
        %dma_start3A_10 = tpu.memref_slice %arg7[%add3A_9, %dma_start3A] : memref<79x128xi32, #tpu.memory_space<vmem>> -> memref<1x128xi32, #tpu.memory_space<vmem>>
        %dma_start3A_11 = tpu.memref_squeeze %dma_start3A_10 : memref<1x128xi32, #tpu.memory_space<vmem>> -> memref<128xi32, #tpu.memory_space<vmem>>
        %dma_start3A_12 = arith.constant 0 : i32
        %dma_start3A_13 = arith.constant 0 : i32
        %dma_start3A_14 = tpu.memref_slice %arg2[%dma_start3A_12, %dma_start3A_13] : memref<10000x32xf32, #tpu.memory_space<hbm>> -> memref<10000x32xf32, #tpu.memory_space<hbm>>
        tpu.enqueue_indirect_dma source(%dma_start3A_14 : memref<10000x32xf32, #tpu.memory_space<hbm>>) target(%arg9 : memref<128x32xf32, #tpu.memory_space<vmem>>) offsets(%dma_start3A_11 : memref<128xi32, #tpu.memory_space<vmem>>) semaphore(%run_scoped3A : memref<!tpu.dma_semaphore, #tpu.memory_space<semaphore_mem>>)
        %dma_wait3A = arith.constant 0 : i32
        %dma_wait3A_15 = tpu.memref_slice %arg7[%add3A_9, %dma_wait3A] : memref<79x128xi32, #tpu.memory_space<vmem>> -> memref<1x128xi32, #tpu.memory_space<vmem>>
        %dma_wait3A_16 = tpu.memref_squeeze %dma_wait3A_15 : memref<1x128xi32, #tpu.memory_space<vmem>> -> memref<128xi32, #tpu.memory_space<vmem>>
        %dma_wait3A_17 = arith.constant 0 : i32
        %dma_wait3A_18 = arith.constant 0 : i32
        %dma_wait3A_19 = tpu.memref_slice %arg2[%dma_wait3A_17, %dma_wait3A_18] : memref<10000x32xf32, #tpu.memory_space<hbm>> -> memref<10000x32xf32, #tpu.memory_space<hbm>>
        tpu.wait_indirect_dma semaphore(%run_scoped3A : memref<!tpu.dma_semaphore, #tpu.memory_space<semaphore_mem>>) src(%dma_wait3A_19 : memref<10000x32xf32, #tpu.memory_space<hbm>>) dst(%arg9 : memref<128x32xf32, #tpu.memory_space<vmem>>)
        tpu.yield
      }) : () -> ()
      "tpu.region"() ({
        %run_scoped3A = tpu.sem_alloc : memref<!tpu.dma_semaphore, #tpu.memory_space<semaphore_mem>>
        %dma_start3A = arith.constant 0 : i32
        %dma_start3A_10 = tpu.memref_slice %arg8[%add3A_9, %dma_start3A] : memref<79x128xi32, #tpu.memory_space<vmem>> -> memref<1x128xi32, #tpu.memory_space<vmem>>
        %dma_start3A_11 = tpu.memref_squeeze %dma_start3A_10 : memref<1x128xi32, #tpu.memory_space<vmem>> -> memref<128xi32, #tpu.memory_space<vmem>>
        %dma_start3A_12 = arith.constant 0 : i32
        %dma_start3A_13 = arith.constant 0 : i32
        %dma_start3A_14 = tpu.memref_slice %arg10[%dma_start3A_12, %dma_start3A_13] : memref<10112x32xf32, #tpu.memory_space<vmem_shared>> -> memref<10112x32xf32, #tpu.memory_space<vmem_shared>>
        tpu.enqueue_indirect_dma source(%arg9 : memref<128x32xf32, #tpu.memory_space<vmem>>) target(%dma_start3A_14 : memref<10112x32xf32, #tpu.memory_space<vmem_shared>>) offsets(%dma_start3A_11 : memref<128xi32, #tpu.memory_space<vmem>>) semaphore(%run_scoped3A : memref<!tpu.dma_semaphore, #tpu.memory_space<semaphore_mem>>) {add = true}
        %dma_wait3A = arith.constant 0 : i32
        %dma_wait3A_15 = tpu.memref_slice %arg8[%add3A_9, %dma_wait3A] : memref<79x128xi32, #tpu.memory_space<vmem>> -> memref<1x128xi32, #tpu.memory_space<vmem>>
        %dma_wait3A_16 = tpu.memref_squeeze %dma_wait3A_15 : memref<1x128xi32, #tpu.memory_space<vmem>> -> memref<128xi32, #tpu.memory_space<vmem>>
        %dma_wait3A_17 = arith.constant 0 : i32
        %dma_wait3A_18 = arith.constant 0 : i32
        %dma_wait3A_19 = tpu.memref_slice %arg10[%dma_wait3A_17, %dma_wait3A_18] : memref<10112x32xf32, #tpu.memory_space<vmem_shared>> -> memref<10112x32xf32, #tpu.memory_space<vmem_shared>>
        tpu.wait_indirect_dma semaphore(%run_scoped3A : memref<!tpu.dma_semaphore, #tpu.memory_space<semaphore_mem>>) src(%arg9 : memref<128x32xf32, #tpu.memory_space<vmem>>) dst(%dma_wait3A_19 : memref<10112x32xf32, #tpu.memory_space<vmem_shared>>)
        tpu.yield
      }) : () -> ()
    }
    %scan3A_4 = arith.constant 79 : i32
    %barrier3A_5 = arith.constant 0 : index
    tpu.barrier barrier_id(%barrier3A_5)
    "tpu.region"() ({
      %run_scoped3A = tpu.sem_alloc : memref<!tpu.dma_semaphore, #tpu.memory_space<semaphore_mem>>
      %dma_start3A = arith.constant 0 : i32
      %dma_start3A_6 = tpu.memref_slice %arg6[%arg0, %mul3A_0, %dma_start3A] : memref<2x10112x32xf32, #tpu.memory_space<hbm>> -> memref<1x632x32xf32, #tpu.memory_space<hbm>>
      %dma_start3A_7 = tpu.memref_squeeze %dma_start3A_6 : memref<1x632x32xf32, #tpu.memory_space<hbm>> -> memref<632x32xf32, #tpu.memory_space<hbm>>
      %dma_start3A_8 = arith.constant 0 : i32
      %dma_start3A_9 = tpu.memref_slice %arg10[%mul3A_0, %dma_start3A_8] : memref<10112x32xf32, #tpu.memory_space<vmem_shared>> -> memref<632x32xf32, #tpu.memory_space<vmem_shared>>
      tpu.enqueue_dma source(%dma_start3A_9 : memref<632x32xf32, #tpu.memory_space<vmem_shared>>) target(%dma_start3A_7 : memref<632x32xf32, #tpu.memory_space<hbm>>) target_semaphore(%run_scoped3A : memref<!tpu.dma_semaphore, #tpu.memory_space<semaphore_mem>>)
      %dma_wait3A = arith.constant 0 : i32
      %dma_wait3A_10 = tpu.memref_slice %arg6[%arg0, %mul3A_0, %dma_wait3A] : memref<2x10112x32xf32, #tpu.memory_space<hbm>> -> memref<1x632x32xf32, #tpu.memory_space<hbm>>
      %dma_wait3A_11 = tpu.memref_squeeze %dma_wait3A_10 : memref<1x632x32xf32, #tpu.memory_space<hbm>> -> memref<632x32xf32, #tpu.memory_space<hbm>>
      %dma_wait3A_12 = arith.constant 0 : i32
      %dma_wait3A_13 = tpu.memref_slice %arg10[%mul3A_0, %dma_wait3A_12] : memref<10112x32xf32, #tpu.memory_space<vmem_shared>> -> memref<632x32xf32, #tpu.memory_space<vmem_shared>>
      tpu.wait_dma2 semaphore(%run_scoped3A : memref<!tpu.dma_semaphore, #tpu.memory_space<semaphore_mem>>) src(%dma_wait3A_13 : memref<632x32xf32, #tpu.memory_space<vmem_shared>>) dst(%dma_wait3A_11 : memref<632x32xf32, #tpu.memory_space<hbm>>)
      tpu.yield
    }) : () -> ()
    return
  }
}

module attributes {stable_mosaic.version = 14 : i64} {
  func.func @_mm1_body(%arg0: memref<10000x128xf32, #tpu.memory_space<vmem>>, %arg1: memref<128x32xf32, #tpu.memory_space<vmem>>, %arg2: memref<10000x32xf32, #tpu.memory_space<vmem>>) attributes {dimension_semantics = [], scalar_prefetch = 0 : i64, scratch_operands = 0 : i64, tpu.core_type = #tpu.core_type<tc>} {
    %get3A = arith.constant 0 : index
    %get3A_0 = arith.constant 0 : index
    %get3A_1 = vector.load %arg0[%get3A, %get3A_0] : memref<10000x128xf32, #tpu.memory_space<vmem>>, vector<10000x128xf32>
    %get3A_2 = arith.constant 0 : index
    %get3A_3 = arith.constant 0 : index
    %get3A_4 = vector.load %arg1[%get3A_2, %get3A_3] : memref<128x32xf32, #tpu.memory_space<vmem>>, vector<128x32xf32>
    %dot_general3A = arith.constant dense<0.000000e+00> : vector<10000x32xf32>
    %dot_general3A_5 = tpu.matmul %get3A_1, %get3A_4, %dot_general3A {dimension_numbers = #tpu.dot_dimension_numbers<[1], [0], [0], [1], [0, 0, 1, 1], [], []>, transpose_lhs_hint = false} : vector<10000x128xf32>, vector<128x32xf32>, vector<10000x32xf32> -> vector<10000x32xf32>
    %swap3A = arith.constant 0 : index
    %swap3A_6 = arith.constant 0 : index
    %swap3A_7 = vector.load %arg2[%swap3A, %swap3A_6] : memref<10000x32xf32, #tpu.memory_space<vmem>>, vector<10000x32xf32>
    tpu.vector_store %arg2[%swap3A, %swap3A_6], %dot_general3A_5 {strides = array<i32>} : memref<10000x32xf32, #tpu.memory_space<vmem>>, vector<10000x32xf32>,
    return
  }
}

module attributes {stable_mosaic.version = 14 : i64} {
  func.func @_scale_body(%arg0: memref<32x10112xf32, #tpu.memory_space<vmem>>, %arg1: memref<10000x32xf32, #tpu.memory_space<vmem>>, %arg2: memref<10000xf32, #tpu.memory_space<vmem>>, %arg3: memref<10000x32xf32, #tpu.memory_space<vmem>>) attributes {dimension_semantics = [], scalar_prefetch = 0 : i64, scratch_operands = 0 : i64, tpu.core_type = #tpu.core_type<tc>} {
    %get3A = arith.constant 0 : index
    %get3A_0 = arith.constant 0 : index
    %get3A_1 = vector.load %arg0[%get3A, %get3A_0] : memref<32x10112xf32, #tpu.memory_space<vmem>>, vector<32x10112xf32>
    %reduce_sum3A = arith.constant dense<0.000000e+00> : vector<10112xf32>
    %reduce_sum3A_2 = vector.multi_reduction <add>, %get3A_1, %reduce_sum3A [0] : vector<32x10112xf32> to vector<10112xf32>
    %slice3A = vector.extract_strided_slice %reduce_sum3A_2 {offsets = [0], sizes = [10000], strides = [1]} : vector<10112xf32> to vector<10000xf32>
    %add3A = arith.constant 1.000000e+00 : f32
    %add3A_3 = vector.broadcast %add3A : f32 to vector<10000xf32>
    %add3A_4 = arith.addf %slice3A, %add3A_3 : vector<10000xf32>
    %rsqrt3A = math.rsqrt %add3A_4 : vector<10000xf32>
    %swap3A = arith.constant 0 : index
    %swap3A_5 = vector.load %arg2[%swap3A] : memref<10000xf32, #tpu.memory_space<vmem>>, vector<10000xf32>
    tpu.vector_store %arg2[%swap3A], %rsqrt3A {strides = array<i32>} : memref<10000xf32, #tpu.memory_space<vmem>>, vector<10000xf32>,
    %get3A_6 = arith.constant 0 : index
    %get3A_7 = arith.constant 0 : index
    %get3A_8 = vector.load %arg1[%get3A_6, %get3A_7] : memref<10000x32xf32, #tpu.memory_space<vmem>>, vector<10000x32xf32>
    %broadcast_in_dim3A = vector.shape_cast %rsqrt3A : vector<10000xf32> to vector<10000x1xf32>
    %mul3A = vector.broadcast %broadcast_in_dim3A : vector<10000x1xf32> to vector<10000x32xf32>
    %mul3A_9 = arith.mulf %get3A_8, %mul3A : vector<10000x32xf32>
    %swap3A_10 = arith.constant 0 : index
    %swap3A_11 = arith.constant 0 : index
    %swap3A_12 = vector.load %arg3[%swap3A_10, %swap3A_11] : memref<10000x32xf32, #tpu.memory_space<vmem>>, vector<10000x32xf32>
    tpu.vector_store %arg3[%swap3A_10, %swap3A_11], %mul3A_9 {strides = array<i32>} : memref<10000x32xf32, #tpu.memory_space<vmem>>, vector<10000x32xf32>,
    return
  }
}

module attributes {stable_mosaic.version = 14 : i64} {
  func.func @_mid_body(%arg0: memref<2x10112x32xf32, #tpu.memory_space<vmem>>, %arg1: memref<10000x32xf32, #tpu.memory_space<vmem>>, %arg2: memref<10000xf32, #tpu.memory_space<vmem>>, %arg3: memref<32xf32, #tpu.memory_space<vmem>>, %arg4: memref<32x32xf32, #tpu.memory_space<vmem>>, %arg5: memref<10000x32xf32, #tpu.memory_space<vmem>>) attributes {dimension_semantics = [], scalar_prefetch = 0 : i64, scratch_operands = 0 : i64, tpu.core_type = #tpu.core_type<tc>} {
    %get3A = arith.constant 0 : index
    %get3A_0 = vector.load %arg2[%get3A] : memref<10000xf32, #tpu.memory_space<vmem>>, vector<10000xf32>
    %broadcast_in_dim3A = vector.shape_cast %get3A_0 : vector<10000xf32> to vector<10000x1xf32>
    %get3A_1 = arith.constant 0 : index
    %get3A_2 = arith.constant 0 : index
    %get3A_3 = arith.constant 0 : index
    %get3A_4 = vector.load %arg0[%get3A_1, %get3A_2, %get3A_3] : memref<2x10112x32xf32, #tpu.memory_space<vmem>>, vector<1x10000x32xf32>
    %get3A_5 = vector.shape_cast %get3A_4 : vector<1x10000x32xf32> to vector<10000x32xf32>
    %get3A_6 = arith.constant 1 : index
    %get3A_7 = arith.constant 0 : index
    %get3A_8 = arith.constant 0 : index
    %get3A_9 = vector.load %arg0[%get3A_6, %get3A_7, %get3A_8] : memref<2x10112x32xf32, #tpu.memory_space<vmem>>, vector<1x10000x32xf32>
    %get3A_10 = vector.shape_cast %get3A_9 : vector<1x10000x32xf32> to vector<10000x32xf32>
    %add3A = arith.addf %get3A_5, %get3A_10 : vector<10000x32xf32>
    %get3A_11 = arith.constant 0 : index
    %get3A_12 = arith.constant 0 : index
    %get3A_13 = vector.load %arg1[%get3A_11, %get3A_12] : memref<10000x32xf32, #tpu.memory_space<vmem>>, vector<10000x32xf32>
    %add3A_14 = arith.addf %add3A, %get3A_13 : vector<10000x32xf32>
    %mul3A = vector.broadcast %broadcast_in_dim3A : vector<10000x1xf32> to vector<10000x32xf32>
    %mul3A_15 = arith.mulf %mul3A, %add3A_14 : vector<10000x32xf32>
    %get3A_16 = arith.constant 0 : index
    %get3A_17 = vector.load %arg3[%get3A_16] : memref<32xf32, #tpu.memory_space<vmem>>, vector<32xf32>
    %broadcast_in_dim3A_18 = vector.shape_cast %get3A_17 : vector<32xf32> to vector<1x32xf32>
    %add3A_19 = vector.broadcast %broadcast_in_dim3A_18 : vector<1x32xf32> to vector<10000x32xf32>
    %add3A_20 = arith.addf %mul3A_15, %add3A_19 : vector<10000x32xf32>
    %mul3A_21 = arith.constant 5.000000e-01 : f32
    %mul3A_22 = vector.broadcast %mul3A_21 : f32 to vector<10000x32xf32>
    %mul3A_23 = arith.mulf %mul3A_22, %add3A_20 : vector<10000x32xf32>
    %mul3A_24 = arith.constant 0.707106769 : f32
    %mul3A_25 = vector.broadcast %mul3A_24 : f32 to vector<10000x32xf32>
    %mul3A_26 = arith.mulf %add3A_20, %mul3A_25 : vector<10000x32xf32>
    %erf3A = math.erf %mul3A_26 : vector<10000x32xf32>
    %add3A_27 = arith.constant 1.000000e+00 : f32
    %add3A_28 = vector.broadcast %add3A_27 : f32 to vector<10000x32xf32>
    %add3A_29 = arith.addf %add3A_28, %erf3A : vector<10000x32xf32>
    %mul3A_30 = arith.mulf %mul3A_23, %add3A_29 : vector<10000x32xf32>
    %get3A_31 = arith.constant 0 : index
    %get3A_32 = arith.constant 0 : index
    %get3A_33 = vector.load %arg4[%get3A_31, %get3A_32] : memref<32x32xf32, #tpu.memory_space<vmem>>, vector<32x32xf32>
    %dot_general3A = arith.constant dense<0.000000e+00> : vector<10000x32xf32>
    %dot_general3A_34 = tpu.matmul %mul3A_30, %get3A_33, %dot_general3A {dimension_numbers = #tpu.dot_dimension_numbers<[1], [0], [0], [1], [0, 0, 1, 1], [], []>, transpose_lhs_hint = false} : vector<10000x32xf32>, vector<32x32xf32>, vector<10000x32xf32> -> vector<10000x32xf32>
    %mul3A_35 = vector.broadcast %broadcast_in_dim3A : vector<10000x1xf32> to vector<10000x32xf32>
    %mul3A_36 = arith.mulf %mul3A_35, %dot_general3A_34 : vector<10000x32xf32>
    %swap3A = arith.constant 0 : index
    %swap3A_37 = arith.constant 0 : index
    %swap3A_38 = vector.load %arg5[%swap3A, %swap3A_37] : memref<10000x32xf32, #tpu.memory_space<vmem>>, vector<10000x32xf32>
    tpu.vector_store %arg5[%swap3A, %swap3A_37], %mul3A_36 {strides = array<i32>} : memref<10000x32xf32, #tpu.memory_space<vmem>>, vector<10000x32xf32>,
    return
  }
}

module attributes {stable_mosaic.version = 14 : i64} {
  func.func @_final_body(%arg0: memref<2x10112x32xf32, #tpu.memory_space<vmem>>, %arg1: memref<10000x32xf32, #tpu.memory_space<vmem>>, %arg2: memref<10000xf32, #tpu.memory_space<vmem>>, %arg3: memref<32xf32, #tpu.memory_space<vmem>>, %arg4: memref<10000x32xf32, #tpu.memory_space<vmem>>) attributes {dimension_semantics = [], scalar_prefetch = 0 : i64, scratch_operands = 0 : i64, tpu.core_type = #tpu.core_type<tc>} {
    %get3A = arith.constant 0 : index
    %get3A_0 = vector.load %arg2[%get3A] : memref<10000xf32, #tpu.memory_space<vmem>>, vector<10000xf32>
    %broadcast_in_dim3A = vector.shape_cast %get3A_0 : vector<10000xf32> to vector<10000x1xf32>
    %get3A_1 = arith.constant 0 : index
    %get3A_2 = arith.constant 0 : index
    %get3A_3 = arith.constant 0 : index
    %get3A_4 = vector.load %arg0[%get3A_1, %get3A_2, %get3A_3] : memref<2x10112x32xf32, #tpu.memory_space<vmem>>, vector<1x10000x32xf32>
    %get3A_5 = vector.shape_cast %get3A_4 : vector<1x10000x32xf32> to vector<10000x32xf32>
    %get3A_6 = arith.constant 1 : index
    %get3A_7 = arith.constant 0 : index
    %get3A_8 = arith.constant 0 : index
    %get3A_9 = vector.load %arg0[%get3A_6, %get3A_7, %get3A_8] : memref<2x10112x32xf32, #tpu.memory_space<vmem>>, vector<1x10000x32xf32>
    %get3A_10 = vector.shape_cast %get3A_9 : vector<1x10000x32xf32> to vector<10000x32xf32>
    %add3A = arith.addf %get3A_5, %get3A_10 : vector<10000x32xf32>
    %get3A_11 = arith.constant 0 : index
    %get3A_12 = arith.constant 0 : index
    %get3A_13 = vector.load %arg1[%get3A_11, %get3A_12] : memref<10000x32xf32, #tpu.memory_space<vmem>>, vector<10000x32xf32>
    %add3A_14 = arith.addf %add3A, %get3A_13 : vector<10000x32xf32>
    %mul3A = vector.broadcast %broadcast_in_dim3A : vector<10000x1xf32> to vector<10000x32xf32>
    %mul3A_15 = arith.mulf %mul3A, %add3A_14 : vector<10000x32xf32>
    %get3A_16 = arith.constant 0 : index
    %get3A_17 = vector.load %arg3[%get3A_16] : memref<32xf32, #tpu.memory_space<vmem>>, vector<32xf32>
    %broadcast_in_dim3A_18 = vector.shape_cast %get3A_17 : vector<32xf32> to vector<1x32xf32>
    %add3A_19 = vector.broadcast %broadcast_in_dim3A_18 : vector<1x32xf32> to vector<10000x32xf32>
    %add3A_20 = arith.addf %mul3A_15, %add3A_19 : vector<10000x32xf32>
    %swap3A = arith.constant 0 : index
    %swap3A_21 = arith.constant 0 : index
    %swap3A_22 = vector.load %arg4[%swap3A, %swap3A_21] : memref<10000x32xf32, #tpu.memory_space<vmem>>, vector<10000x32xf32>
    tpu.vector_store %arg4[%swap3A, %swap3A_21], %add3A_20 {strides = array<i32>} : memref<10000x32xf32, #tpu.memory_space<vmem>>, vector<10000x32xf32>,
    return
  }
}

</mosaic_0001>

<sc_bundles>
// kernel: kernel.12.cloned.1.call-start
scs
__scs_entry_jumppad:
0x0: {  	(pc) =	sbr.rel $0x88, $3  }
0x1: {  	(tag) =	ssettag $0x0;
	lr =	simm.s32 $0x1  }
0x2: {  	[smem:$0x3F9B] =	sst lr;
	_ =	strace $0xD0000000  }
0x3: {  	_ = 	snop  }
0x4: {  	_ = 	snop  }
0x5: {  	_ = 	snop  }
0x6: {  	_ = 	snop  }
0x7: {  	_ = 	snop  }
__scs_overlays_trampoline_lowered:
0x8: {  	[smem:$0x3FAA] =	sst s0  }
0x9: {  	[smem:$0x3FAB] =	sst s1  }
0xa: {  	[smem:$0x3FAC] =	sst s2  }
0xb: {  	[smem:$0x3FAD] =	sst s3  }
0xc: {  	[smem:$0x3FAE] =	sst s4  }
0xd: {  	[smem:$0x3FAF] =	sst s5  }
0xe: {  	[smem:$0x3FB0] =	sst s6  }
0xf: {  	[smem:$0x3FB1] =	sst s7  }
0x10: {  	[smem:$0x3FB2] =	sst s8  }
0x11: {  	[smem:$0x3FB3] =	sst s9;
	s0 =	simm.s32 @!p0 $0x0  }
0x12: {  	s1 =	sld [smem:$0x3F99];
	s0 =	simm.s32 @p0 $0x1  }
0x13: {  	[smem:$0x3FB4] =	sst s0;
	s0 =	simm.s32 @!p1 $0x0  }
0x14: {  	s2 =	sld [smem:$0x3F98];
	s0 =	simm.s32 @p1 $0x1  }
0x15: {  	[smem:$0x3FB5] =	sst s0;
	s0 =	simm.s32 @!p2 $0x0  }
0x16: {  	s3 =	sld [smem:$0x3FDB];
	s0 =	simm.s32 @p2 $0x1  }
0x17: {  	s4 =	simm.s32 $0x1BF5;
	[smem:$0x3FB7] =	sst s0  }
0x18: {  	s0 =	sld [smem:$0x3F9A];
	_ =	swait.ge [sflag:s4], $0x0  }
0x19: {  	s7 =	sld [smem:$0x3F9B]  }
0x1a: {  	s8 =	sadd.s32 $0xFFFFE003, lr  }
0x1b: {  	s9 =	sadd.s32 $0xFFFFFEF7, lr;
	s5 =	simm.s32 $0xFFFFFFFF;
	p2 =	slt.u32 s8, $0xFFFFF086  }
0x1c: {  	p1 =	slt.u32 s9, $0xF7A;
	s5 =	simm.s32 @!p2 $0x0  }
0x1d: {  	s5 =	simm.s32 @p1 $0x1;
	p0 =	seq.s32 s7, s2  }
0x1e: {  	s7 =	smul.u32 @!p0 $0xF7A, s2;
	p2 =	seq.s32 @!p0 s5, $0x0  }
0x1f: {  	s9 =	smul.u32 $0xF7A, s1;
	s8 =	simm.s32 @!p0 $0x1BF5;
	p2 =	por !p2, p0  }
0x20: {  	[sflag:s8] =	ssyncset.s32 @!p0 $0xFFFFF086;
	s6 =	sadd.s32 @!p0 s3, s7;
	s7 =	simm.s32 @!p0 $0x108  }
0x21: {  	s3 =	sadd.s32 s3, s9;
	s6 =	sadd.s32 @!p0 $0x88, s6;
	s7 =	simm.s32 @p2 $0x1082  }
0x22: {  	[simem:s7], [sflag:s8] =	dma.local @!p0 [hbm:s6], $0xF7A  }
0x23: {  	s9 =	sor.u32 $0xD0000000, s2;
	s6 =	simm.s32 $0x108;
	_ =	swait.ge @!p0 [sflag:s8], $0x0  }
0x24: {  	s3 =	sadd.s32 $0x88, s3;
	s6 =	simm.s32 @!p1 $0x1082;
	[sflag:s4] =	ssyncset.s32 $0xFFFFF086  }
0x25: {  	[simem:s6], [sflag:s4] =	dma.local [hbm:s3], $0xF7A  }
0x26: {  	[smem:$0x3F9B] =	sst s1;
	(tag) =	ssettag s2;
	_ =	strace s9  }
0x27: {  	s1 =	sld [smem:$0x3FAB]  }
0x28: {  	s2 =	sld [smem:$0x3FAC]  }
0x29: {  	s4 =	sld [smem:$0x3FAE]  }
0x2a: {  	p0 =	seq.s32 s5, $0x0;
	s5 =	sld [smem:$0x3FAF]  }
0x2b: {  	s6 =	sld [smem:$0x3FB0]  }
0x2c: {  	s7 =	sld [smem:$0x3FB1]  }
0x2d: {  	s3 =	simm.s32 $0x108;
	s8 =	sld [smem:$0x3FB2]  }
0x2e: {  	s3 =	simm.s32 @!p0 $0x1082;
	s9 =	sld [smem:$0x3FB3]  }
0x2f: {  	lr =	sadd.s32 s0, s3;
	s0 =	sld [smem:$0x3FAA]  }
0x30: {  	s3 =	sld [smem:$0x3FAD]  }
0x31: {  	[smem:$0x3FB6] =	sst s10  }
0x32: {  	s10 =	sld [smem:$0x3FB4];
	_ =	sdelay $0x3  }
0x33: {  	p0 =	seq.s32 s10, $0x1;
	s10 =	sld [smem:$0x3FB6];
	_ =	sdelay $0x3  }
0x34: {  	[smem:$0x3FB6] =	sst s10  }
0x35: {  	s10 =	sld [smem:$0x3FB5];
	_ =	sdelay $0x3  }
0x36: {  	p1 =	seq.s32 s10, $0x1;
	s10 =	sld [smem:$0x3FB6];
	_ =	sdelay $0x3  }
0x37: {  	[smem:$0x3FB6] =	sst s10  }
0x38: {  	s10 =	sld [smem:$0x3FB7]  }
0x39: {  	_ = 	snop;
	(pc) =	sbr.ind lr, $3  }
0x3a: {  	_ = 	snop  }
0x3b: {  	_ = 	snop  }
0x3c: {  	p2 =	seq.s32 s10, $0x1;
	s10 =	sld [smem:$0x3FB6]  }
0x3d: {  	_ =	shalt  }
0x3e: {  	_ =	shalt  }
0x3f: {  	_ =	shalt  }
0x40: {  	_ =	shalt  }
0x41: {  	_ =	shalt  }
0x42: {  	_ =	shalt  }
0x43: {  	_ =	shalt  }
0x44: {  	_ =	shalt  }
0x45: {  	_ =	shalt  }
0x46: {  	_ =	shalt  }
0x47: {  	_ =	shalt  }
0x48: {  	_ =	shalt  }
0x49: {  	_ =	shalt  }
0x4a: {  	_ =	shalt  }
0x4b: {  	_ =	shalt  }
0x4c: {  	_ =	shalt  }
0x4d: {  	_ =	shalt  }
0x4e: {  	_ =	shalt  }
0x4f: {  	_ =	shalt  }
0x50: {  	_ =	shalt  }
0x51: {  	_ =	shalt  }
0x52: {  	_ =	shalt  }
0x53: {  	_ =	shalt  }
0x54: {  	_ =	shalt  }
0x55: {  	_ =	shalt  }
0x56: {  	_ =	shalt  }
0x57: {  	_ =	shalt  }
0x58: {  	_ =	shalt  }
0x59: {  	_ =	shalt  }
0x5a: {  	_ =	shalt  }
0x5b: {  	_ =	shalt  }
0x5c: {  	_ =	shalt  }
0x5d: {  	_ =	shalt  }
0x5e: {  	_ =	shalt  }
0x5f: {  	_ =	shalt  }
0x60: {  	_ =	shalt  }
0x61: {  	_ =	shalt  }
0x62: {  	_ =	shalt  }
0x63: {  	_ =	shalt  }
0x64: {  	_ =	shalt  }
0x65: {  	_ =	shalt  }
0x66: {  	_ =	shalt  }
0x67: {  	_ =	shalt  }
0x68: {  	_ =	shalt  }
0x69: {  	_ =	shalt  }
0x6a: {  	_ =	shalt  }
0x6b: {  	_ =	shalt  }
0x6c: {  	_ =	shalt  }
0x6d: {  	_ =	shalt  }
0x6e: {  	_ =	shalt  }
0x6f: {  	_ =	shalt  }
0x70: {  	_ =	shalt  }
0x71: {  	_ =	shalt  }
0x72: {  	_ =	shalt  }
0x73: {  	_ =	shalt  }
0x74: {  	_ =	shalt  }
0x75: {  	_ =	shalt  }
0x76: {  	_ =	shalt  }
0x77: {  	_ =	shalt  }
0x78: {  	_ =	shalt  }
0x79: {  	_ =	shalt  }
0x7a: {  	_ =	shalt  }
0x7b: {  	_ =	shalt  }
0x7c: {  	_ =	shalt  }
0x7d: {  	_ =	shalt  }
0x7e: {  	_ =	shalt  }
0x7f: {  	_ =	shalt  }
0x80: {  	_ =	shalt  }
0x81: {  	_ =	shalt  }
0x82: {  	_ =	shalt  }
0x83: {  	_ =	shalt  }
0x84: {  	_ =	shalt  }
0x85: {  	_ =	shalt  }
0x86: {  	_ =	shalt  }
0x87: {  	_ =	shalt  }
.Lfunc_end0:
.L_simem_size_0:
called_computation.1_lowered:
.L_overlay_start_0:
0x88: {  	s2 =	sld [smem:$0x3FD9]  }
0x89: {  	s3 =	sld [smem:$0x3FFE];
	_ =	sdelay $0x1  }
0x8a: {  	s1 =	srdreg.scid  }
0x8b: {  	s0 =	sand.u32 $0x1, s1  }
0x8c: {  	s17 =	sshll.u32 s0, $0xA;
	s2 =	sadd.s32 s3, s2  }
0x8d: {  	s2 =	sadd.s32 s2, s17  }
0x8e: {  	[smem:$0x3FC2] =	sst s2  }
0x8f: {  	_ = 	snop  }
0x90: {  	s2 =	sld [smem:$0x3FD0];
	(tm) =	ssettm $0x1  }
0x91: {  	s18 =	sld [smem:$0x3FFB];
	_ =	sdelay $0x3  }
0x92: {  	_ =	strace s18  }
0x93: {  	s3 =	sld [smem:$0x3FFC];
	_ =	sdelay $0x3  }
0x94: {  	_ =	strace s3  }
0x95: {  	s3 =	sld [smem:$0x3FFD];
	_ =	sdelay $0x3  }
0x96: {  	_ =	strace s3  }
0x97: {  	_ =	strace $0x8FFFFFFF  }
0x98: {  	s19 =	sld [smem:$0x3FDB];
	_ =	sdelay $0x1  }
0x99: {  	s4 =	simm.s32 $_scs_section_size  }
0x9a: {  	s5 =	simm.s32 $_size__tile_overlayer_lowered;
	s6 =	simm.s32 $_tile_overlayer_lowered  }
0x9b: {  	s22 =	simm.s32 $0x1BFF;
	s21 =	sshll.u32 s6, $0x1;
	s3 =	sadd.s32 s4, s19  }
0x9c: {  	s7 =	simm.s32 $0x0;
	s20 =	sshll.u32 s5, $0x1;
	s5 =	sadd.s32 s21, s3  }
0x9d: {  	[timem:s7], [sflag:s22] =	dma.local [hbm:s5], s20  }
0x9e: {  	_ =	swait.ge [sflag:s22], s20  }
0x9f: {  	s4 =	ssub.s32 $0x0, s20;
	[sflag:s22] =	ssyncset.done $0x0  }
0xa0: {  	[sflag:s22] =	ssyncadd.s32 s4;
	_ =	sdelay $0x1  }
0xa1: {  	s23 =	simm.s32 $0x1B8B  }
0xa2: {  	_ =	swait.ge [sflag:s23], $0x1  }
0xa3: {  	[sflag:s23] =	ssyncset.done $0x0  }
0xa4: {  	s25 =	simm.s32 $0x1B8E;
	s24 =	sld [smem:$0x3FFE];
	[sflag:s23] =	ssyncadd.s32 $0xFFFFFFFF  }
0xa5: {  	s26 =	simm.s32 $execute0_lowered;
	[smem:$0x3FD2] =	sst s25  }
0xa6: {  	s5 =	sshll.u32 s26, $0x1;
	_ =	strace $0x80000049;
	[dreg:$0x1] =	wrdreg $0xFFFFFFFF  }
0xa7: {  	s28 =	simm.s32 $_size_execute0_lowered;
	s3 =	sadd.s32 s3, s5;
	[dreg:$0x0] =	wrdreg $0x0  }
0xa8: {  	s5 =	sshll.u32 s28, $0x1;
	[dreg:$0x2] =	wrdreg s3  }
0xa9: {  	[dreg:$0x3] =	wrdreg s5  }
0xaa: {  	[dreg:$0x4] =	wrdreg $0xC0  }
0xab: {  	_ =	task [dreg:s7], $0x5FFFF  }
0xac: {  	[dreg:$0x1] =	wrdreg $0xFFFFFFFF  }
0xad: {  	[dreg:$0x0] =	wrdreg $0x60  }
0xae: {  	[dreg:$0x2] =	wrdreg s24  }
0xaf: {  	[dreg:$0x3] =	wrdreg s2  }
0xb0: {  	[dreg:$0x4] =	wrdreg $0x5F000  }
0xb1: {  	[dreg:$0x5] =	wrdreg $0x9  }
0xb2: {  	_ =	task.clear_ibuf [dreg:s7], $0x6FFFF;
	_ =	strace $0x90000049  }
0xb3: {  	s29 =	simm.s32 $0x9;
	_ =	strace $0x8000004B  }
0xb4: {  	_ =	swait.ge [sflag:s29], $0x1  }
0xb5: {  	[sflag:s29] =	ssyncadd.s32 $0xFFFFFFFF  }
0xb6: {  	_ =	strace $0x9000004B  }
0xb7: {  	_ =	sfence  }
0xb8: {  	s30 =	sld [smem:$0x0];
	_ =	sdelay $0x2  }
0xb9: {  	s31 =	sshll.u32 s1, $0xD;
	s1 =	sshrl.u32 s1, $0x2  }
0xba: {  	s3 =	sand.u32 $0x4000, s31;
	s1 =	sadd.s32 s1, s30  }
0xbb: {  	s0 =	sor.u32 s3, s0;
	s1 =	sshll.u32 s1, $0x11  }
0xbc: {  	s0 =	sor.u32 s1, s0  }
0xbd: {  	s0 =	sadd.s32 $0x8F2B, s0  }
0xbe: {  	[sflag:s0] =	ssyncadd.remote.s32 $0x1  }
0xbf: {  	_ =	sfence.sel $0xFFFF  }
0xc0: {  	[dreg:$0x0] =	wrdreg $0xFFFFFFFF;
	(pc) =	sbr.abs _section_cstart, $3  }
0xc1: {  	[dreg:$0x1] =	wrdreg $0xFFFFFFFF  }
0xc2: {  	_ =	task.clear_ibuf [dreg:s7], $0x2FFFF;
	_ =	strace $0x9FFFFFFF  }
0xc3: {  	(tm) =	ssettm $0x7FFFFFFF  }
tec
execute0_lowered:
.L_overlay_start_1:
0x0: {  	(tag) =	ssettag $0x1  }
0x1: {  	s5 =	rddreg [dreg:$0x0]  }
0x2: {  	s0 =	srdreg.scid;
	s6 =	rddreg [dreg:$0x1]  }
0x3: {  	s2 =	rddreg [dreg:$0x2];
	s7 =	sand.u32 $0x1, s0  }
0x4: {  	s0 =	stileid.u32;
	s4 =	smul.u32 $0x27800, s7  }
0x5: {  	s1 =	rddreg [dreg:$0x3];
	s3 =	simm.s32 $0x0;
	s8 =	smul.u32 $0x2780, s0  }
0x6: {  	s15 =	simm.s32 $0x4F00;
	s16 =	simm.s32 $0x0;
	s9 =	smul.u32 $0x4F00, s0  }
0x7: {  	[smem:$0x7FF] =	sst s3;
	s29 =	smul.u32 $0x4F000, s7;
	s7 =	ssub.s32 $0x2, s7  }
0x8: {  	_ =	strace $0x8000004A;
	s31 =	sshll.u32 s0, $0x6;
	s30 =	sshrl.u32 s7, $0x1  }
0x9: {  	s4 =	sadd.s32 s8, s4;
	s8 =	sadd.s32 s9, s29;
	s12 =	sshrl.u32 s9, $0x3  }
0xa: {  	s13 =	ssub.s32 s7, s30;
	s14 =	sadd.s32 s9, s2;
	s10 =	sshrl.u32 s4, $0x3  }
0xb: {  	s4 =	sadd.s32 $0x1600, s5;
	s8 =	sshrl.u32 s8, $0x3;
	s12 =	sadd.s32 s12, s5  }
0xc: {  	s9 =	smax.u32 s13, $0x1;
	s13 =	sshrl.u32 s14, $0x3;
	s14 =	simm.s32 $0x80  }
0xd: {  	s11 =	sadd.s32 s10, s5;
	s8 =	sadd.s32 s8, s5;
	s6 =	sadd.s32 s6, s10  }
0xe: {  	s7 =	sadd.s32 $0x15200, s12;
	s10 =	simm.s32 $0x1;
	s12 =	sor.u32 $0x1C01, s31  }
0xf: {  	s5 =	sadd.s32 $0xB400, s11;
	s8 =	sadd.s32 $0x1F000, s8;
	s11 =	simm.s32 $0x2780  }
.LBB2_1:
0x10: {  	[tilespmem:s3], [sflag:$0x1] =	stream.linear.gather [hbm4b:s5+s3], $0x2780, $0x38;
	[tilespmem:$0xAE00] =	vst v63  }
0x11: {  	_ =	swait.ge [sflag:s10], $0x2780  }
0x12: {  	[sflag:s10] =	ssyncset.done $0x0  }
0x13: {  	[sflag:s10] =	ssyncadd.s32 $0xFFFFD880  }
0x14: {  	[tilespmem:s11], [sflag:$0x1] =	stream.linear.gather [hbm4b:s6+s3], $0x2780, $0x38;
	[tilespmem:$0xAE00] =	vst v63  }
0x15: {  	_ =	swait.ge [sflag:s10], $0x2780  }
0x16: {  	[sflag:s10] =	ssyncset.done $0x0  }
0x17: {  	[sflag:s10] =	ssyncadd.s32 $0xFFFFD880  }
0x18: {  	[spmem:s13], [sflag:s12] =	dma.local [hbm:s7], $0x9E0  }
0x19: {  	_ =	swait.ge [sflag:s10], $0x9E0  }
0x1a: {  	[sflag:s10] =	ssyncset.done $0x0  }
0x1b: {  	[sflag:s10] =	ssyncadd.s32 $0xFFFFF620  }
0x1c: {  	s17 =	simm.s32 $0x0;
	[bflag:$0x0] =	sbarrier.arrive $0xFFFF  }
0x1d: {  	[tilespmem:s15], [sflag:$0x1] =	stream.indirect.gather [hbm4b:s4+s14], $0x20, s17, s14, $0xb8;
	[tilespmem:$0xAE00] =	vst v63  }
0x1e: {  	_ =	swait.ge [sflag:s10], $0x1000  }
0x1f: {  	[sflag:s10] =	ssyncset.done $0x0  }
0x20: {  	s31 =	simm.s32 $0x2780;
	[sflag:s10] =	ssyncadd.s32 $0xFFFFF000  }
0x21: {  	[spmem:s2] =	stream.indirect.scatter.add.f32 [tilespmem:s15], [sflag:$0x1], $0x20, s31, s14, $0xb8;
	[tilespmem:$0xAE00] =	vst v63  }
0x22: {  	_ =	swait.ge [sflag:s10], $0x1000  }
0x23: {  	s18 =	simm.s32 $0x400;
	s17 =	simm.s32 $0x200;
	[sflag:s10] =	ssyncset.done $0x0  }
.LBB2_2:
0x24: {  	s19 =	sshra.s32 s17, $0x2  }
0x25: {  	[sflag:s10] =	ssyncadd.s32 $0xFFFFF000;
	s17 =	smov.u32 s18;
	s20 =	sadd.s32 $0x200, s18  }
0x26: {  	[tilespmem:s15], [sflag:$0x1] =	stream.indirect.gather [hbm4b:s4+s14], $0x20, s19, s14, $0xb8;
	[tilespmem:$0xAE00] =	vst v63  }
0x27: {  	p0 =	sne.s32 s18, $0x9C00;
	_ =	swait.ge [sflag:s10], $0x1000  }
.Ltmp0:
0x28: {  	[sflag:s10] =	ssyncset.done $0x0;
	(pc) =	sbr.rel @p0 .LBB2_2-.Ltmp0, $4  }
0x29: {  	s18 =	sadd.s32 $0x2780, s19;
	[sflag:s10] =	ssyncadd.s32 $0xFFFFF000  }
0x2a: {  	[spmem:s2] =	stream.indirect.scatter.add.f32 [tilespmem:s15], [sflag:$0x1], $0x20, s18, s14, $0xb8;
	[tilespmem:$0xAE00] =	vst v63  }
0x2b: {  	_ =	swait.ge [sflag:s10], $0x1000  }
0x2c: {  	s18 =	smov.u32 s20;
	[sflag:s10] =	ssyncset.done $0x0  }
0x2d: {  	s17 =	sshra.s32 s17, $0x2;
	[sflag:s10] =	ssyncadd.s32 $0xFFFFF000  }
0x2e: {  	[tilespmem:s15], [sflag:$0x1] =	stream.indirect.gather [hbm4b:s4+s14], $0x20, s17, s14, $0xb8;
	[tilespmem:$0xAE00] =	vst v63  }
0x2f: {  	_ =	swait.ge [sflag:s10], $0x1000  }
0x30: {  	[sflag:s10] =	ssyncset.done $0x0  }
0x31: {  	s17 =	sadd.s32 $0x2780, s17;
	[sflag:s10] =	ssyncadd.s32 $0xFFFFF000  }
0x32: {  	[spmem:s2] =	stream.indirect.scatter.add.f32 [tilespmem:s15], [sflag:$0x1], $0x20, s17, s14, $0xb8;
	[tilespmem:$0xAE00] =	vst v63  }
0x33: {  	_ =	swait.ge [sflag:s10], $0x1000  }
0x34: {  	s16 =	sadd.s32 $0x1, s16;
	[sflag:s10] =	ssyncset.done $0x0  }
0x35: {  	p0 =	sne.s32 s16, s9;
	[sflag:s10] =	ssyncadd.s32 $0xFFFFF000  }
.Ltmp1:
0x36: {  	[bflag:$0x0] =	sbarrier.arrive $0xFFFF;
	(pc) =	sbr.rel @p0 .LBB2_1-.Ltmp1, $4  }
0x37: {  	[hbm:s8], [sflag:s12] =	dma.local [spmem:s13], $0x9E0  }
0x38: {  	_ =	swait.ge [sflag:s10], $0x9E0  }
0x39: {  	[sflag:s10] =	ssyncset.done $0x0  }
0x3a: {  	[sflag:s10] =	ssyncadd.s32 $0xFFFFF620  }
0x3b: {  	_ =	sfence.sel $0x180000  }
0x3c: {  	[bflag:$0x0] =	sbarrier.arrive $0xFFFF  }
0x3d: {  	p0 =	sne.s32 s0, $0x0;
	_ =	strace $0x9000004A  }
0x3e: {  	s0 =	sadd.s32 @!p0 $0x100000, s1;
	[bflag:$0x2] =	sbarrier.arrive $0xFFFF  }
0x3f: {  	[sflag:s0] =	ssyncadd.tile.s32 @!p0 $0x1;
	_ =	shalt  }
.Lfunc_end2:
_tile_overlayer_lowered:
.L_overlay_start_2:
0x40: {  	(tag) =	ssettag $0x2  }
0x41: {  	s0 =	rddreg [dreg:$0x0];
	s2 =	stileid.u32  }
0x42: {  	s1 =	rddreg [dreg:$0x1];
	p0 =	sne.s32 s2, $0x0  }
0x43: {  	s3 =	rddreg [dreg:$0x2];
	[bflag:$0x3] =	sbarrier.arrive $0xFFFF;
	s2 =	simm.s32 @!p0 $0x1C01  }
0x44: {  	[timem:s3], [sflag:s2] =	dma.local @!p0 [hbm:s0], s1  }
0x45: {  	s0 =	simm.s32 @!p0 $0x1  }
0x46: {  	_ =	swait.ge @!p0 [sflag:s0], s1  }
0x47: {  	s1 =	ssub.s32 @!p0 $0x0, s1;
	[sflag:s0] =	ssyncset.done @!p0 $0x0  }
0x48: {  	[sflag:s0] =	ssyncadd.s32 @!p0 s1  }
0x49: {  	[bflag:$0x3] =	sbarrier.arrive $0xFFFF  }
0x4a: {  	_ =	shalt  }

// kernel: kernel.15.cloned.1.call-start
scs
__scs_entry_jumppad:
0x0: {  	(pc) =	sbr.rel $0x88, $3  }
0x1: {  	(tag) =	ssettag $0x0;
	lr =	simm.s32 $0x1  }
0x2: {  	[smem:$0x3F9B] =	sst lr;
	_ =	strace $0xD0000000  }
0x3: {  	_ = 	snop  }
0x4: {  	_ = 	snop  }
0x5: {  	_ = 	snop  }
0x6: {  	_ = 	snop  }
0x7: {  	_ = 	snop  }
__scs_overlays_trampoline_lowered:
0x8: {  	[smem:$0x3FAA] =	sst s0  }
0x9: {  	[smem:$0x3FAB] =	sst s1  }
0xa: {  	[smem:$0x3FAC] =	sst s2  }
0xb: {  	[smem:$0x3FAD] =	sst s3  }
0xc: {  	[smem:$0x3FAE] =	sst s4  }
0xd: {  	[smem:$0x3FAF] =	sst s5  }
0xe: {  	[smem:$0x3FB0] =	sst s6  }
0xf: {  	[smem:$0x3FB1] =	sst s7  }
0x10: {  	[smem:$0x3FB2] =	sst s8  }
0x11: {  	[smem:$0x3FB3] =	sst s9;
	s0 =	simm.s32 @!p0 $0x0  }
0x12: {  	s1 =	sld [smem:$0x3F99];
	s0 =	simm.s32 @p0 $0x1  }
0x13: {  	[smem:$0x3FB4] =	sst s0;
	s0 =	simm.s32 @!p1 $0x0  }
0x14: {  	s2 =	sld [smem:$0x3F98];
	s0 =	simm.s32 @p1 $0x1  }
0x15: {  	[smem:$0x3FB5] =	sst s0;
	s0 =	simm.s32 @!p2 $0x0  }
0x16: {  	s3 =	sld [smem:$0x3FDB];
	s0 =	simm.s32 @p2 $0x1  }
0x17: {  	s4 =	simm.s32 $0x1BF5;
	[smem:$0x3FB7] =	sst s0  }
0x18: {  	s0 =	sld [smem:$0x3F9A];
	_ =	swait.ge [sflag:s4], $0x0  }
0x19: {  	s7 =	sld [smem:$0x3F9B]  }
0x1a: {  	s8 =	sadd.s32 $0xFFFFE003, lr  }
0x1b: {  	s9 =	sadd.s32 $0xFFFFFEF7, lr;
	s5 =	simm.s32 $0xFFFFFFFF;
	p2 =	slt.u32 s8, $0xFFFFF086  }
0x1c: {  	p1 =	slt.u32 s9, $0xF7A;
	s5 =	simm.s32 @!p2 $0x0  }
0x1d: {  	s5 =	simm.s32 @p1 $0x1;
	p0 =	seq.s32 s7, s2  }
0x1e: {  	s7 =	smul.u32 @!p0 $0xF7A, s2;
	p2 =	seq.s32 @!p0 s5, $0x0  }
0x1f: {  	s9 =	smul.u32 $0xF7A, s1;
	s8 =	simm.s32 @!p0 $0x1BF5;
	p2 =	por !p2, p0  }
0x20: {  	[sflag:s8] =	ssyncset.s32 @!p0 $0xFFFFF086;
	s6 =	sadd.s32 @!p0 s3, s7;
	s7 =	simm.s32 @!p0 $0x108  }
0x21: {  	s3 =	sadd.s32 s3, s9;
	s6 =	sadd.s32 @!p0 $0x88, s6;
	s7 =	simm.s32 @p2 $0x1082  }
0x22: {  	[simem:s7], [sflag:s8] =	dma.local @!p0 [hbm:s6], $0xF7A  }
0x23: {  	s9 =	sor.u32 $0xD0000000, s2;
	s6 =	simm.s32 $0x108;
	_ =	swait.ge @!p0 [sflag:s8], $0x0  }
0x24: {  	s3 =	sadd.s32 $0x88, s3;
	s6 =	simm.s32 @!p1 $0x1082;
	[sflag:s4] =	ssyncset.s32 $0xFFFFF086  }
0x25: {  	[simem:s6], [sflag:s4] =	dma.local [hbm:s3], $0xF7A  }
0x26: {  	[smem:$0x3F9B] =	sst s1;
	(tag) =	ssettag s2;
	_ =	strace s9  }
0x27: {  	s1 =	sld [smem:$0x3FAB]  }
0x28: {  	s2 =	sld [smem:$0x3FAC]  }
0x29: {  	s4 =	sld [smem:$0x3FAE]  }
0x2a: {  	p0 =	seq.s32 s5, $0x0;
	s5 =	sld [smem:$0x3FAF]  }
0x2b: {  	s6 =	sld [smem:$0x3FB0]  }
0x2c: {  	s7 =	sld [smem:$0x3FB1]  }
0x2d: {  	s3 =	simm.s32 $0x108;
	s8 =	sld [smem:$0x3FB2]  }
0x2e: {  	s3 =	simm.s32 @!p0 $0x1082;
	s9 =	sld [smem:$0x3FB3]  }
0x2f: {  	lr =	sadd.s32 s0, s3;
	s0 =	sld [smem:$0x3FAA]  }
0x30: {  	s3 =	sld [smem:$0x3FAD]  }
0x31: {  	[smem:$0x3FB6] =	sst s10  }
0x32: {  	s10 =	sld [smem:$0x3FB4];
	_ =	sdelay $0x3  }
0x33: {  	p0 =	seq.s32 s10, $0x1;
	s10 =	sld [smem:$0x3FB6];
	_ =	sdelay $0x3  }
0x34: {  	[smem:$0x3FB6] =	sst s10  }
0x35: {  	s10 =	sld [smem:$0x3FB5];
	_ =	sdelay $0x3  }
0x36: {  	p1 =	seq.s32 s10, $0x1;
	s10 =	sld [smem:$0x3FB6];
	_ =	sdelay $0x3  }
0x37: {  	[smem:$0x3FB6] =	sst s10  }
0x38: {  	s10 =	sld [smem:$0x3FB7]  }
0x39: {  	_ = 	snop;
	(pc) =	sbr.ind lr, $3  }
0x3a: {  	_ = 	snop  }
0x3b: {  	_ = 	snop  }
0x3c: {  	p2 =	seq.s32 s10, $0x1;
	s10 =	sld [smem:$0x3FB6]  }
0x3d: {  	_ =	shalt  }
0x3e: {  	_ =	shalt  }
0x3f: {  	_ =	shalt  }
0x40: {  	_ =	shalt  }
0x41: {  	_ =	shalt  }
0x42: {  	_ =	shalt  }
0x43: {  	_ =	shalt  }
0x44: {  	_ =	shalt  }
0x45: {  	_ =	shalt  }
0x46: {  	_ =	shalt  }
0x47: {  	_ =	shalt  }
0x48: {  	_ =	shalt  }
0x49: {  	_ =	shalt  }
0x4a: {  	_ =	shalt  }
0x4b: {  	_ =	shalt  }
0x4c: {  	_ =	shalt  }
0x4d: {  	_ =	shalt  }
0x4e: {  	_ =	shalt  }
0x4f: {  	_ =	shalt  }
0x50: {  	_ =	shalt  }
0x51: {  	_ =	shalt  }
0x52: {  	_ =	shalt  }
0x53: {  	_ =	shalt  }
0x54: {  	_ =	shalt  }
0x55: {  	_ =	shalt  }
0x56: {  	_ =	shalt  }
0x57: {  	_ =	shalt  }
0x58: {  	_ =	shalt  }
0x59: {  	_ =	shalt  }
0x5a: {  	_ =	shalt  }
0x5b: {  	_ =	shalt  }
0x5c: {  	_ =	shalt  }
0x5d: {  	_ =	shalt  }
0x5e: {  	_ =	shalt  }
0x5f: {  	_ =	shalt  }
0x60: {  	_ =	shalt  }
0x61: {  	_ =	shalt  }
0x62: {  	_ =	shalt  }
0x63: {  	_ =	shalt  }
0x64: {  	_ =	shalt  }
0x65: {  	_ =	shalt  }
0x66: {  	_ =	shalt  }
0x67: {  	_ =	shalt  }
0x68: {  	_ =	shalt  }
0x69: {  	_ =	shalt  }
0x6a: {  	_ =	shalt  }
0x6b: {  	_ =	shalt  }
0x6c: {  	_ =	shalt  }
0x6d: {  	_ =	shalt  }
0x6e: {  	_ =	shalt  }
0x6f: {  	_ =	shalt  }
0x70: {  	_ =	shalt  }
0x71: {  	_ =	shalt  }
0x72: {  	_ =	shalt  }
0x73: {  	_ =	shalt  }
0x74: {  	_ =	shalt  }
0x75: {  	_ =	shalt  }
0x76: {  	_ =	shalt  }
0x77: {  	_ =	shalt  }
0x78: {  	_ =	shalt  }
0x79: {  	_ =	shalt  }
0x7a: {  	_ =	shalt  }
0x7b: {  	_ =	shalt  }
0x7c: {  	_ =	shalt  }
0x7d: {  	_ =	shalt  }
0x7e: {  	_ =	shalt  }
0x7f: {  	_ =	shalt  }
0x80: {  	_ =	shalt  }
0x81: {  	_ =	shalt  }
0x82: {  	_ =	shalt  }
0x83: {  	_ =	shalt  }
0x84: {  	_ =	shalt  }
0x85: {  	_ =	shalt  }
0x86: {  	_ =	shalt  }
0x87: {  	_ =	shalt  }
.Lfunc_end0:
.L_simem_size_0:
called_computation.2_lowered:
.L_overlay_start_0:
0x88: {  	s2 =	sld [smem:$0x3FD9]  }
0x89: {  	s3 =	sld [smem:$0x3FFE];
	_ =	sdelay $0x1  }
0x8a: {  	s1 =	srdreg.scid  }
0x8b: {  	s0 =	sand.u32 $0x1, s1  }
0x8c: {  	s17 =	sshll.u32 s0, $0xA;
	s2 =	sadd.s32 s3, s2  }
0x8d: {  	s2 =	sadd.s32 s2, s17  }
0x8e: {  	[smem:$0x3FC2] =	sst s2  }
0x8f: {  	_ = 	snop  }
0x90: {  	s2 =	sld [smem:$0x3FD0];
	(tm) =	ssettm $0x1  }
0x91: {  	s18 =	sld [smem:$0x3FFB];
	_ =	sdelay $0x3  }
0x92: {  	_ =	strace s18  }
0x93: {  	s3 =	sld [smem:$0x3FFC];
	_ =	sdelay $0x3  }
0x94: {  	_ =	strace s3  }
0x95: {  	s3 =	sld [smem:$0x3FFD];
	_ =	sdelay $0x3  }
0x96: {  	_ =	strace s3  }
0x97: {  	_ =	strace $0x8FFFFFFF  }
0x98: {  	s19 =	sld [smem:$0x3FDB];
	_ =	sdelay $0x1  }
0x99: {  	s4 =	simm.s32 $_scs_section_size  }
0x9a: {  	s5 =	simm.s32 $_size__tile_overlayer_lowered;
	s6 =	simm.s32 $_tile_overlayer_lowered  }
0x9b: {  	s22 =	simm.s32 $0x1BFF;
	s21 =	sshll.u32 s6, $0x1;
	s3 =	sadd.s32 s4, s19  }
0x9c: {  	s7 =	simm.s32 $0x0;
	s20 =	sshll.u32 s5, $0x1;
	s5 =	sadd.s32 s21, s3  }
0x9d: {  	[timem:s7], [sflag:s22] =	dma.local [hbm:s5], s20  }
0x9e: {  	_ =	swait.ge [sflag:s22], s20  }
0x9f: {  	s4 =	ssub.s32 $0x0, s20;
	[sflag:s22] =	ssyncset.done $0x0  }
0xa0: {  	[sflag:s22] =	ssyncadd.s32 s4;
	_ =	sdelay $0x1  }
0xa1: {  	s23 =	simm.s32 $0x1B8B  }
0xa2: {  	_ =	swait.ge [sflag:s23], $0x1  }
0xa3: {  	[sflag:s23] =	ssyncset.done $0x0  }
0xa4: {  	s25 =	simm.s32 $0x1B8E;
	s24 =	sld [smem:$0x3FFE];
	[sflag:s23] =	ssyncadd.s32 $0xFFFFFFFF  }
0xa5: {  	s26 =	simm.s32 $execute0_lowered;
	[smem:$0x3FD2] =	sst s25  }
0xa6: {  	s5 =	sshll.u32 s26, $0x1;
	_ =	strace $0x8000004C;
	[dreg:$0x1] =	wrdreg $0xFFFFFFFF  }
0xa7: {  	s28 =	simm.s32 $_size_execute0_lowered;
	s3 =	sadd.s32 s3, s5;
	[dreg:$0x0] =	wrdreg $0x0  }
0xa8: {  	s5 =	sshll.u32 s28, $0x1;
	[dreg:$0x2] =	wrdreg s3  }
0xa9: {  	[dreg:$0x3] =	wrdreg s5  }
0xaa: {  	[dreg:$0x4] =	wrdreg $0xC0  }
0xab: {  	_ =	task [dreg:s7], $0x5FFFF  }
0xac: {  	[dreg:$0x1] =	wrdreg $0xFFFFFFFF  }
0xad: {  	[dreg:$0x0] =	wrdreg $0x60  }
0xae: {  	[dreg:$0x2] =	wrdreg s24  }
0xaf: {  	[dreg:$0x3] =	wrdreg s2  }
0xb0: {  	[dreg:$0x4] =	wrdreg $0x5F000  }
0xb1: {  	[dreg:$0x5] =	wrdreg $0x9  }
0xb2: {  	_ =	task.clear_ibuf [dreg:s7], $0x6FFFF;
	_ =	strace $0x9000004C  }
0xb3: {  	s29 =	simm.s32 $0x9;
	_ =	strace $0x8000004E  }
0xb4: {  	_ =	swait.ge [sflag:s29], $0x1  }
0xb5: {  	[sflag:s29] =	ssyncadd.s32 $0xFFFFFFFF  }
0xb6: {  	_ =	strace $0x9000004E  }
0xb7: {  	_ =	sfence  }
0xb8: {  	s30 =	sld [smem:$0x0];
	_ =	sdelay $0x2  }
0xb9: {  	s31 =	sshll.u32 s1, $0xD;
	s1 =	sshrl.u32 s1, $0x2  }
0xba: {  	s3 =	sand.u32 $0x4000, s31;
	s1 =	sadd.s32 s1, s30  }
0xbb: {  	s0 =	sor.u32 s3, s0;
	s1 =	sshll.u32 s1, $0x11  }
0xbc: {  	s0 =	sor.u32 s1, s0  }
0xbd: {  	s0 =	sadd.s32 $0x8F2B, s0  }
0xbe: {  	[sflag:s0] =	ssyncadd.remote.s32 $0x1  }
0xbf: {  	_ =	sfence.sel $0xFFFF  }
0xc0: {  	[dreg:$0x0] =	wrdreg $0xFFFFFFFF;
	(pc) =	sbr.abs _section_cstart, $3  }
0xc1: {  	[dreg:$0x1] =	wrdreg $0xFFFFFFFF  }
0xc2: {  	_ =	task.clear_ibuf [dreg:s7], $0x2FFFF;
	_ =	strace $0x9FFFFFFF  }
0xc3: {  	(tm) =	ssettm $0x7FFFFFFF  }
tec
execute0_lowered:
.L_overlay_start_1:
0x0: {  	(tag) =	ssettag $0x1  }
0x1: {  	s5 =	rddreg [dreg:$0x0]  }
0x2: {  	s0 =	srdreg.scid;
	s6 =	rddreg [dreg:$0x1]  }
0x3: {  	s2 =	rddreg [dreg:$0x2];
	s7 =	sand.u32 $0x1, s0  }
0x4: {  	s0 =	stileid.u32;
	s4 =	smul.u32 $0x27800, s7  }
0x5: {  	s1 =	rddreg [dreg:$0x3];
	s3 =	simm.s32 $0x0;
	s8 =	smul.u32 $0x2780, s0  }
0x6: {  	s15 =	simm.s32 $0x4F00;
	s16 =	simm.s32 $0x0;
	s9 =	smul.u32 $0x4F00, s0  }
0x7: {  	[smem:$0x7FF] =	sst s3;
	s29 =	smul.u32 $0x4F000, s7;
	s7 =	ssub.s32 $0x2, s7  }
0x8: {  	_ =	strace $0x8000004D;
	s31 =	sshll.u32 s0, $0x6;
	s30 =	sshrl.u32 s7, $0x1  }
0x9: {  	s4 =	sadd.s32 s8, s4;
	s8 =	sadd.s32 s9, s29;
	s12 =	sshrl.u32 s9, $0x3  }
0xa: {  	s13 =	ssub.s32 s7, s30;
	s14 =	sadd.s32 s9, s2;
	s10 =	sshrl.u32 s4, $0x3  }
0xb: {  	s4 =	sadd.s32 $0x1600, s5;
	s8 =	sshrl.u32 s8, $0x3;
	s12 =	sadd.s32 s12, s5  }
0xc: {  	s9 =	smax.u32 s13, $0x1;
	s13 =	sshrl.u32 s14, $0x3;
	s14 =	simm.s32 $0x80  }
0xd: {  	s11 =	sadd.s32 s10, s5;
	s8 =	sadd.s32 s8, s5;
	s6 =	sadd.s32 s6, s10  }
0xe: {  	s7 =	sadd.s32 $0x15200, s12;
	s10 =	simm.s32 $0x1;
	s12 =	sor.u32 $0x1C01, s31  }
0xf: {  	s5 =	sadd.s32 $0xB400, s11;
	s8 =	sadd.s32 $0x1F000, s8;
	s11 =	simm.s32 $0x2780  }
.LBB2_1:
0x10: {  	[tilespmem:s3], [sflag:$0x1] =	stream.linear.gather [hbm4b:s5+s3], $0x2780, $0x38;
	[tilespmem:$0xAE00] =	vst v63  }
0x11: {  	_ =	swait.ge [sflag:s10], $0x2780  }
0x12: {  	[sflag:s10] =	ssyncset.done $0x0  }
0x13: {  	[sflag:s10] =	ssyncadd.s32 $0xFFFFD880  }
0x14: {  	[tilespmem:s11], [sflag:$0x1] =	stream.linear.gather [hbm4b:s6+s3], $0x2780, $0x38;
	[tilespmem:$0xAE00] =	vst v63  }
0x15: {  	_ =	swait.ge [sflag:s10], $0x2780  }
0x16: {  	[sflag:s10] =	ssyncset.done $0x0  }
0x17: {  	[sflag:s10] =	ssyncadd.s32 $0xFFFFD880  }
0x18: {  	[spmem:s13], [sflag:s12] =	dma.local [hbm:s7], $0x9E0  }
0x19: {  	_ =	swait.ge [sflag:s10], $0x9E0  }
0x1a: {  	[sflag:s10] =	ssyncset.done $0x0  }
0x1b: {  	[sflag:s10] =	ssyncadd.s32 $0xFFFFF620  }
0x1c: {  	s17 =	simm.s32 $0x0;
	[bflag:$0x0] =	sbarrier.arrive $0xFFFF  }
0x1d: {  	[tilespmem:s15], [sflag:$0x1] =	stream.indirect.gather [hbm4b:s4+s14], $0x20, s17, s14, $0xb8;
	[tilespmem:$0xAE00] =	vst v63  }
0x1e: {  	_ =	swait.ge [sflag:s10], $0x1000  }
0x1f: {  	[sflag:s10] =	ssyncset.done $0x0  }
0x20: {  	s31 =	simm.s32 $0x2780;
	[sflag:s10] =	ssyncadd.s32 $0xFFFFF000  }
0x21: {  	[spmem:s2] =	stream.indirect.scatter.add.f32 [tilespmem:s15], [sflag:$0x1], $0x20, s31, s14, $0xb8;
	[tilespmem:$0xAE00] =	vst v63  }
0x22: {  	_ =	swait.ge [sflag:s10], $0x1000  }
0x23: {  	s18 =	simm.s32 $0x400;
	s17 =	simm.s32 $0x200;
	[sflag:s10] =	ssyncset.done $0x0  }
.LBB2_2:
0x24: {  	s19 =	sshra.s32 s17, $0x2  }
0x25: {  	[sflag:s10] =	ssyncadd.s32 $0xFFFFF000;
	s17 =	smov.u32 s18;
	s20 =	sadd.s32 $0x200, s18  }
0x26: {  	[tilespmem:s15], [sflag:$0x1] =	stream.indirect.gather [hbm4b:s4+s14], $0x20, s19, s14, $0xb8;
	[tilespmem:$0xAE00] =	vst v63  }
0x27: {  	p0 =	sne.s32 s18, $0x9C00;
	_ =	swait.ge [sflag:s10], $0x1000  }
.Ltmp0:
0x28: {  	[sflag:s10] =	ssyncset.done $0x0;
	(pc) =	sbr.rel @p0 .LBB2_2-.Ltmp0, $4  }
0x29: {  	s18 =	sadd.s32 $0x2780, s19;
	[sflag:s10] =	ssyncadd.s32 $0xFFFFF000  }
0x2a: {  	[spmem:s2] =	stream.indirect.scatter.add.f32 [tilespmem:s15], [sflag:$0x1], $0x20, s18, s14, $0xb8;
	[tilespmem:$0xAE00] =	vst v63  }
0x2b: {  	_ =	swait.ge [sflag:s10], $0x1000  }
0x2c: {  	s18 =	smov.u32 s20;
	[sflag:s10] =	ssyncset.done $0x0  }
0x2d: {  	s17 =	sshra.s32 s17, $0x2;
	[sflag:s10] =	ssyncadd.s32 $0xFFFFF000  }
0x2e: {  	[tilespmem:s15], [sflag:$0x1] =	stream.indirect.gather [hbm4b:s4+s14], $0x20, s17, s14, $0xb8;
	[tilespmem:$0xAE00] =	vst v63  }
0x2f: {  	_ =	swait.ge [sflag:s10], $0x1000  }
0x30: {  	[sflag:s10] =	ssyncset.done $0x0  }
0x31: {  	s17 =	sadd.s32 $0x2780, s17;
	[sflag:s10] =	ssyncadd.s32 $0xFFFFF000  }
0x32: {  	[spmem:s2] =	stream.indirect.scatter.add.f32 [tilespmem:s15], [sflag:$0x1], $0x20, s17, s14, $0xb8;
	[tilespmem:$0xAE00] =	vst v63  }
0x33: {  	_ =	swait.ge [sflag:s10], $0x1000  }
0x34: {  	s16 =	sadd.s32 $0x1, s16;
	[sflag:s10] =	ssyncset.done $0x0  }
0x35: {  	p0 =	sne.s32 s16, s9;
	[sflag:s10] =	ssyncadd.s32 $0xFFFFF000  }
.Ltmp1:
0x36: {  	[bflag:$0x0] =	sbarrier.arrive $0xFFFF;
	(pc) =	sbr.rel @p0 .LBB2_1-.Ltmp1, $4  }
0x37: {  	[hbm:s8], [sflag:s12] =	dma.local [spmem:s13], $0x9E0  }
0x38: {  	_ =	swait.ge [sflag:s10], $0x9E0  }
0x39: {  	[sflag:s10] =	ssyncset.done $0x0  }
0x3a: {  	[sflag:s10] =	ssyncadd.s32 $0xFFFFF620  }
0x3b: {  	_ =	sfence.sel $0x180000  }
0x3c: {  	[bflag:$0x0] =	sbarrier.arrive $0xFFFF  }
0x3d: {  	p0 =	sne.s32 s0, $0x0;
	_ =	strace $0x9000004D  }
0x3e: {  	s0 =	sadd.s32 @!p0 $0x100000, s1;
	[bflag:$0x2] =	sbarrier.arrive $0xFFFF  }
0x3f: {  	[sflag:s0] =	ssyncadd.tile.s32 @!p0 $0x1;
	_ =	shalt  }
.Lfunc_end2:
_tile_overlayer_lowered:
.L_overlay_start_2:
0x40: {  	(tag) =	ssettag $0x2  }
0x41: {  	s0 =	rddreg [dreg:$0x0];
	s2 =	stileid.u32  }
0x42: {  	s1 =	rddreg [dreg:$0x1];
	p0 =	sne.s32 s2, $0x0  }
0x43: {  	s3 =	rddreg [dreg:$0x2];
	[bflag:$0x3] =	sbarrier.arrive $0xFFFF;
	s2 =	simm.s32 @!p0 $0x1C01  }
0x44: {  	[timem:s3], [sflag:s2] =	dma.local @!p0 [hbm:s0], s1  }
0x45: {  	s0 =	simm.s32 @!p0 $0x1  }
0x46: {  	_ =	swait.ge @!p0 [sflag:s0], s1  }
0x47: {  	s1 =	ssub.s32 @!p0 $0x0, s1;
	[sflag:s0] =	ssyncset.done @!p0 $0x0  }
0x48: {  	[sflag:s0] =	ssyncadd.s32 @!p0 s1  }
0x49: {  	[bflag:$0x3] =	sbarrier.arrive $0xFFFF  }
0x4a: {  	_ =	shalt  }

// kernel: kernel.9.cloned.1.call-start
scs
__scs_entry_jumppad:
0x0: {  	(pc) =	sbr.rel $0x88, $3  }
0x1: {  	(tag) =	ssettag $0x0;
	lr =	simm.s32 $0x1  }
0x2: {  	[smem:$0x3F9B] =	sst lr;
	_ =	strace $0xD0000000  }
0x3: {  	_ = 	snop  }
0x4: {  	_ = 	snop  }
0x5: {  	_ = 	snop  }
0x6: {  	_ = 	snop  }
0x7: {  	_ = 	snop  }
__scs_overlays_trampoline_lowered:
0x8: {  	[smem:$0x3FAA] =	sst s0  }
0x9: {  	[smem:$0x3FAB] =	sst s1  }
0xa: {  	[smem:$0x3FAC] =	sst s2  }
0xb: {  	[smem:$0x3FAD] =	sst s3  }
0xc: {  	[smem:$0x3FAE] =	sst s4  }
0xd: {  	[smem:$0x3FAF] =	sst s5  }
0xe: {  	[smem:$0x3FB0] =	sst s6  }
0xf: {  	[smem:$0x3FB1] =	sst s7  }
0x10: {  	[smem:$0x3FB2] =	sst s8  }
0x11: {  	[smem:$0x3FB3] =	sst s9;
	s0 =	simm.s32 @!p0 $0x0  }
0x12: {  	s1 =	sld [smem:$0x3F99];
	s0 =	simm.s32 @p0 $0x1  }
0x13: {  	[smem:$0x3FB4] =	sst s0;
	s0 =	simm.s32 @!p1 $0x0  }
0x14: {  	s2 =	sld [smem:$0x3F98];
	s0 =	simm.s32 @p1 $0x1  }
0x15: {  	[smem:$0x3FB5] =	sst s0;
	s0 =	simm.s32 @!p2 $0x0  }
0x16: {  	s3 =	sld [smem:$0x3FDB];
	s0 =	simm.s32 @p2 $0x1  }
0x17: {  	s4 =	simm.s32 $0x1BF5;
	[smem:$0x3FB7] =	sst s0  }
0x18: {  	s0 =	sld [smem:$0x3F9A];
	_ =	swait.ge [sflag:s4], $0x0  }
0x19: {  	s7 =	sld [smem:$0x3F9B]  }
0x1a: {  	s8 =	sadd.s32 $0xFFFFE003, lr  }
0x1b: {  	s9 =	sadd.s32 $0xFFFFFEF7, lr;
	s5 =	simm.s32 $0xFFFFFFFF;
	p2 =	slt.u32 s8, $0xFFFFF086  }
0x1c: {  	p1 =	slt.u32 s9, $0xF7A;
	s5 =	simm.s32 @!p2 $0x0  }
0x1d: {  	s5 =	simm.s32 @p1 $0x1;
	p0 =	seq.s32 s7, s2  }
0x1e: {  	s7 =	smul.u32 @!p0 $0xF7A, s2;
	p2 =	seq.s32 @!p0 s5, $0x0  }
0x1f: {  	s9 =	smul.u32 $0xF7A, s1;
	s8 =	simm.s32 @!p0 $0x1BF5;
	p2 =	por !p2, p0  }
0x20: {  	[sflag:s8] =	ssyncset.s32 @!p0 $0xFFFFF086;
	s6 =	sadd.s32 @!p0 s3, s7;
	s7 =	simm.s32 @!p0 $0x108  }
0x21: {  	s3 =	sadd.s32 s3, s9;
	s6 =	sadd.s32 @!p0 $0x88, s6;
	s7 =	simm.s32 @p2 $0x1082  }
0x22: {  	[simem:s7], [sflag:s8] =	dma.local @!p0 [hbm:s6], $0xF7A  }
0x23: {  	s9 =	sor.u32 $0xD0000000, s2;
	s6 =	simm.s32 $0x108;
	_ =	swait.ge @!p0 [sflag:s8], $0x0  }
0x24: {  	s3 =	sadd.s32 $0x88, s3;
	s6 =	simm.s32 @!p1 $0x1082;
	[sflag:s4] =	ssyncset.s32 $0xFFFFF086  }
0x25: {  	[simem:s6], [sflag:s4] =	dma.local [hbm:s3], $0xF7A  }
0x26: {  	[smem:$0x3F9B] =	sst s1;
	(tag) =	ssettag s2;
	_ =	strace s9  }
0x27: {  	s1 =	sld [smem:$0x3FAB]  }
0x28: {  	s2 =	sld [smem:$0x3FAC]  }
0x29: {  	s4 =	sld [smem:$0x3FAE]  }
0x2a: {  	p0 =	seq.s32 s5, $0x0;
	s5 =	sld [smem:$0x3FAF]  }
0x2b: {  	s6 =	sld [smem:$0x3FB0]  }
0x2c: {  	s7 =	sld [smem:$0x3FB1]  }
0x2d: {  	s3 =	simm.s32 $0x108;
	s8 =	sld [smem:$0x3FB2]  }
0x2e: {  	s3 =	simm.s32 @!p0 $0x1082;
	s9 =	sld [smem:$0x3FB3]  }
0x2f: {  	lr =	sadd.s32 s0, s3;
	s0 =	sld [smem:$0x3FAA]  }
0x30: {  	s3 =	sld [smem:$0x3FAD]  }
0x31: {  	[smem:$0x3FB6] =	sst s10  }
0x32: {  	s10 =	sld [smem:$0x3FB4];
	_ =	sdelay $0x3  }
0x33: {  	p0 =	seq.s32 s10, $0x1;
	s10 =	sld [smem:$0x3FB6];
	_ =	sdelay $0x3  }
0x34: {  	[smem:$0x3FB6] =	sst s10  }
0x35: {  	s10 =	sld [smem:$0x3FB5];
	_ =	sdelay $0x3  }
0x36: {  	p1 =	seq.s32 s10, $0x1;
	s10 =	sld [smem:$0x3FB6];
	_ =	sdelay $0x3  }
0x37: {  	[smem:$0x3FB6] =	sst s10  }
0x38: {  	s10 =	sld [smem:$0x3FB7]  }
0x39: {  	_ = 	snop;
	(pc) =	sbr.ind lr, $3  }
0x3a: {  	_ = 	snop  }
0x3b: {  	_ = 	snop  }
0x3c: {  	p2 =	seq.s32 s10, $0x1;
	s10 =	sld [smem:$0x3FB6]  }
0x3d: {  	_ =	shalt  }
0x3e: {  	_ =	shalt  }
0x3f: {  	_ =	shalt  }
0x40: {  	_ =	shalt  }
0x41: {  	_ =	shalt  }
0x42: {  	_ =	shalt  }
0x43: {  	_ =	shalt  }
0x44: {  	_ =	shalt  }
0x45: {  	_ =	shalt  }
0x46: {  	_ =	shalt  }
0x47: {  	_ =	shalt  }
0x48: {  	_ =	shalt  }
0x49: {  	_ =	shalt  }
0x4a: {  	_ =	shalt  }
0x4b: {  	_ =	shalt  }
0x4c: {  	_ =	shalt  }
0x4d: {  	_ =	shalt  }
0x4e: {  	_ =	shalt  }
0x4f: {  	_ =	shalt  }
0x50: {  	_ =	shalt  }
0x51: {  	_ =	shalt  }
0x52: {  	_ =	shalt  }
0x53: {  	_ =	shalt  }
0x54: {  	_ =	shalt  }
0x55: {  	_ =	shalt  }
0x56: {  	_ =	shalt  }
0x57: {  	_ =	shalt  }
0x58: {  	_ =	shalt  }
0x59: {  	_ =	shalt  }
0x5a: {  	_ =	shalt  }
0x5b: {  	_ =	shalt  }
0x5c: {  	_ =	shalt  }
0x5d: {  	_ =	shalt  }
0x5e: {  	_ =	shalt  }
0x5f: {  	_ =	shalt  }
0x60: {  	_ =	shalt  }
0x61: {  	_ =	shalt  }
0x62: {  	_ =	shalt  }
0x63: {  	_ =	shalt  }
0x64: {  	_ =	shalt  }
0x65: {  	_ =	shalt  }
0x66: {  	_ =	shalt  }
0x67: {  	_ =	shalt  }
0x68: {  	_ =	shalt  }
0x69: {  	_ =	shalt  }
0x6a: {  	_ =	shalt  }
0x6b: {  	_ =	shalt  }
0x6c: {  	_ =	shalt  }
0x6d: {  	_ =	shalt  }
0x6e: {  	_ =	shalt  }
0x6f: {  	_ =	shalt  }
0x70: {  	_ =	shalt  }
0x71: {  	_ =	shalt  }
0x72: {  	_ =	shalt  }
0x73: {  	_ =	shalt  }
0x74: {  	_ =	shalt  }
0x75: {  	_ =	shalt  }
0x76: {  	_ =	shalt  }
0x77: {  	_ =	shalt  }
0x78: {  	_ =	shalt  }
0x79: {  	_ =	shalt  }
0x7a: {  	_ =	shalt  }
0x7b: {  	_ =	shalt  }
0x7c: {  	_ =	shalt  }
0x7d: {  	_ =	shalt  }
0x7e: {  	_ =	shalt  }
0x7f: {  	_ =	shalt  }
0x80: {  	_ =	shalt  }
0x81: {  	_ =	shalt  }
0x82: {  	_ =	shalt  }
0x83: {  	_ =	shalt  }
0x84: {  	_ =	shalt  }
0x85: {  	_ =	shalt  }
0x86: {  	_ =	shalt  }
0x87: {  	_ =	shalt  }
.Lfunc_end0:
.L_simem_size_0:
called_computation_lowered:
.L_overlay_start_0:
0x88: {  	s2 =	sld [smem:$0x3FD9]  }
0x89: {  	s3 =	sld [smem:$0x3FFE];
	_ =	sdelay $0x1  }
0x8a: {  	s1 =	srdreg.scid  }
0x8b: {  	s0 =	sand.u32 $0x1, s1  }
0x8c: {  	s17 =	sshll.u32 s0, $0xA;
	s2 =	sadd.s32 s3, s2  }
0x8d: {  	s2 =	sadd.s32 s2, s17  }
0x8e: {  	[smem:$0x3FC2] =	sst s2  }
0x8f: {  	_ = 	snop  }
0x90: {  	s2 =	sld [smem:$0x3FD0];
	(tm) =	ssettm $0x1  }
0x91: {  	s18 =	sld [smem:$0x3FFB];
	_ =	sdelay $0x3  }
0x92: {  	_ =	strace s18  }
0x93: {  	s3 =	sld [smem:$0x3FFC];
	_ =	sdelay $0x3  }
0x94: {  	_ =	strace s3  }
0x95: {  	s3 =	sld [smem:$0x3FFD];
	_ =	sdelay $0x3  }
0x96: {  	_ =	strace s3  }
0x97: {  	_ =	strace $0x8FFFFFFF  }
0x98: {  	s19 =	sld [smem:$0x3FDB];
	_ =	sdelay $0x1  }
0x99: {  	s4 =	simm.s32 $_scs_section_size  }
0x9a: {  	s5 =	simm.s32 $_size__tile_overlayer_lowered;
	s6 =	simm.s32 $_tile_overlayer_lowered  }
0x9b: {  	s22 =	simm.s32 $0x1BFF;
	s21 =	sshll.u32 s6, $0x1;
	s3 =	sadd.s32 s4, s19  }
0x9c: {  	s7 =	simm.s32 $0x0;
	s20 =	sshll.u32 s5, $0x1;
	s5 =	sadd.s32 s21, s3  }
0x9d: {  	[timem:s7], [sflag:s22] =	dma.local [hbm:s5], s20  }
0x9e: {  	_ =	swait.ge [sflag:s22], s20  }
0x9f: {  	s4 =	ssub.s32 $0x0, s20;
	[sflag:s22] =	ssyncset.done $0x0  }
0xa0: {  	[sflag:s22] =	ssyncadd.s32 s4;
	_ =	sdelay $0x1  }
0xa1: {  	s23 =	simm.s32 $0x1B8B  }
0xa2: {  	_ =	swait.ge [sflag:s23], $0x1  }
0xa3: {  	[sflag:s23] =	ssyncset.done $0x0  }
0xa4: {  	s25 =	simm.s32 $0x1B8E;
	s24 =	sld [smem:$0x3FFE];
	[sflag:s23] =	ssyncadd.s32 $0xFFFFFFFF  }
0xa5: {  	s26 =	simm.s32 $execute0_lowered;
	[smem:$0x3FD2] =	sst s25  }
0xa6: {  	s5 =	sshll.u32 s26, $0x1;
	_ =	strace $0x80000046;
	[dreg:$0x1] =	wrdreg $0xFFFFFFFF  }
0xa7: {  	s28 =	simm.s32 $_size_execute0_lowered;
	s3 =	sadd.s32 s3, s5;
	[dreg:$0x0] =	wrdreg $0x0  }
0xa8: {  	s5 =	sshll.u32 s28, $0x1;
	[dreg:$0x2] =	wrdreg s3  }
0xa9: {  	[dreg:$0x3] =	wrdreg s5  }
0xaa: {  	[dreg:$0x4] =	wrdreg $0xC0  }
0xab: {  	_ =	task [dreg:s7], $0x5FFFF  }
0xac: {  	[dreg:$0x1] =	wrdreg $0xFFFFFFFF  }
0xad: {  	[dreg:$0x0] =	wrdreg $0x60  }
0xae: {  	[dreg:$0x2] =	wrdreg s2  }
0xaf: {  	[dreg:$0x3] =	wrdreg s24  }
0xb0: {  	[dreg:$0x4] =	wrdreg $0x9  }
0xb1: {  	_ =	task.clear_ibuf [dreg:s7], $0x5FFFF;
	_ =	strace $0x90000046  }
0xb2: {  	s29 =	simm.s32 $0x9;
	_ =	strace $0x80000048  }
0xb3: {  	_ =	swait.ge [sflag:s29], $0x1  }
0xb4: {  	[sflag:s29] =	ssyncadd.s32 $0xFFFFFFFF  }
0xb5: {  	_ =	strace $0x90000048  }
0xb6: {  	_ =	sfence  }
0xb7: {  	s30 =	sld [smem:$0x0];
	_ =	sdelay $0x2  }
0xb8: {  	s31 =	sshll.u32 s1, $0xD;
	s1 =	sshrl.u32 s1, $0x2  }
0xb9: {  	s3 =	sand.u32 $0x4000, s31;
	s1 =	sadd.s32 s1, s30  }
0xba: {  	s0 =	sor.u32 s3, s0;
	s1 =	sshll.u32 s1, $0x11  }
0xbb: {  	s0 =	sor.u32 s1, s0  }
0xbc: {  	s0 =	sadd.s32 $0x8F2B, s0  }
0xbd: {  	[sflag:s0] =	ssyncadd.remote.s32 $0x1  }
0xbe: {  	_ =	sfence.sel $0xFFFF  }
0xbf: {  	[dreg:$0x0] =	wrdreg $0xFFFFFFFF;
	(pc) =	sbr.abs _section_cstart, $3  }
0xc0: {  	[dreg:$0x1] =	wrdreg $0xFFFFFFFF  }
0xc1: {  	_ =	task.clear_ibuf [dreg:s7], $0x2FFFF;
	_ =	strace $0x9FFFFFFF  }
0xc2: {  	(tm) =	ssettm $0x7FFFFFFF  }
0xc3: {  	_ =	shalt  }
tec
execute0_lowered:
.L_overlay_start_1:
0x0: {  	(tag) =	ssettag $0x1  }
0x1: {  	s3 =	rddreg [dreg:$0x0]  }
0x2: {  	s4 =	rddreg [dreg:$0x1];
	s1 =	srdreg.scid  }
0x3: {  	s0 =	rddreg [dreg:$0x2];
	s5 =	sand.u32 $0x1, s1  }
0x4: {  	s2 =	simm.s32 $0x0;
	s1 =	stileid.u32;
	s7 =	smul.u32 $0x27800, s5  }
0x5: {  	[smem:$0x7FF] =	sst s2;
	s6 =	sshll.u32 s5, $0x4;
	s8 =	smul.u32 $0x2780, s1  }
0x6: {  	s5 =	ssub.s32 $0x2, s5;
	_ =	strace $0x80000047;
	s6 =	sor.u32 s1, s6  }
0x7: {  	s30 =	sshrl.u32 s5, $0x1;
	s6 =	smul.u32 $0x4F0, s6;
	s7 =	sadd.s32 s8, s7  }
0x8: {  	s5 =	ssub.s32 s5, s30;
	s8 =	simm.s32 $0x0;
	s31 =	sshrl.u32 s7, $0x3  }
0x9: {  	s5 =	smax.u32 s5, $0x1;
	s7 =	simm.s32 $0x2780;
	s4 =	sadd.s32 s6, s4  }
0xa: {  	v0 =	vimm.f32 $0.0e+00;
	v1 =	vimm.f32 $1.000000000e+00;
	s3 =	sadd.s32 s3, s31;
	s6 =	simm.s32 $0x1;
	s4 =	sadd.s32 $0x1600, s4  }
.LBB2_1:
0xb: {  	[tilespmem:s2], [sflag:$0x1] =	stream.linear.gather [hbm4b:s3+s2], $0x2780, $0x38;
	[tilespmem:$0x4F00] =	vst v63  }
0xc: {  	_ =	swait.ge [sflag:s6], $0x2780  }
0xd: {  	[sflag:s6] =	ssyncset.done $0x0  }
0xe: {  	s9 =	simm.s32 $0x0;
	[sflag:s6] =	ssyncadd.s32 $0xFFFFD880  }
.LBB2_2:
0xf: {  	p0 =	sne.s32 s9, $0x9DC0  }
.Ltmp0:
0x10: {  	_ = 	snop;
	(pc) =	sbr.rel @p0 .LBB2_2-.Ltmp0, $3  }
0x11: {  	_ =	sdelay $0x1  }
0x12: {  	s10 =	sshra.s32 s9, $0x2  }
0x13: {  	s9 =	sadd.s32 $0x40, s9;
	[tilespmem:s10+$0x2780] =	vst v0  }
0x14: {  	s9 =	simm.s32 $0x1C0  }
.LBB2_4:
0x15: {  	s10 =	sshra.s32 s9, $0x2  }
0x16: {  	v2 =	vld [tilespmem:s10+$0xFFFFFF90];
	_ =	sdelay $0x7  }
0x17: {  	[tilespmem:v2+s7+$0x0] =	vst.idx.add.f32.msk $0xffff, v1  }
0x18: {  	v2 =	vld [tilespmem:s10+$0xFFFFFFA0];
	_ =	sdelay $0x7  }
0x19: {  	[tilespmem:v2+s7+$0x0] =	vst.idx.add.f32.msk $0xffff, v1  }
0x1a: {  	v2 =	vld [tilespmem:s10+$0xFFFFFFB0];
	_ =	sdelay $0x7  }
0x1b: {  	[tilespmem:v2+s7+$0x0] =	vst.idx.add.f32.msk $0xffff, v1  }
0x1c: {  	v2 =	vld [tilespmem:s10+$0xFFFFFFC0];
	_ =	sdelay $0x7  }
0x1d: {  	[tilespmem:v2+s7+$0x0] =	vst.idx.add.f32.msk $0xffff, v1  }
0x1e: {  	v2 =	vld [tilespmem:s10+$0xFFFFFFD0];
	_ =	sdelay $0x7  }
0x1f: {  	[tilespmem:v2+s7+$0x0] =	vst.idx.add.f32.msk $0xffff, v1  }
0x20: {  	v2 =	vld [tilespmem:s10+$0xFFFFFFE0];
	_ =	sdelay $0x7  }
0x21: {  	[tilespmem:v2+s7+$0x0] =	vst.idx.add.f32.msk $0xffff, v1  }
0x22: {  	v2 =	vld [tilespmem:s10+$0xFFFFFFF0];
	_ =	sdelay $0x7  }
0x23: {  	[tilespmem:v2+s7+$0x0] =	vst.idx.add.f32.msk $0xffff, v1  }
0x24: {  	v2 =	vld [tilespmem:s10+$0x0];
	_ =	sdelay $0x2  }
0x25: {  	p0 =	sne.s32 s9, $0x9DC0  }
.Ltmp1:
0x26: {  	_ = 	snop;
	(pc) =	sbr.rel @p0 .LBB2_4-.Ltmp1, $2  }
0x27: {  	_ =	sdelay $0x2  }
0x28: {  	s9 =	sadd.s32 $0x200, s9;
	[tilespmem:v2+s7+$0x0] =	vst.idx.add.f32.msk $0xffff, v1  }
0x29: {  	s8 =	sadd.s32 $0x1, s8  }
0x2a: {  	p0 =	sne.s32 s8, s5  }
.Ltmp2:
0x2b: {  	_ = 	snop;
	(pc) =	sbr.rel @p0 .LBB2_1-.Ltmp2, $4  }
0x2c: {  	[hbm4b:s4+s2] =	stream.linear.scatter [tilespmem:s7], [sflag:$0x1], $0x2780, $0x38;
	[tilespmem:$0x4F00] =	vst v63  }
0x2d: {  	_ =	swait.ge [sflag:s6], $0x2780  }
0x2e: {  	[sflag:s6] =	ssyncset.done $0x0  }
0x2f: {  	[sflag:s6] =	ssyncadd.s32 $0xFFFFD880  }
0x30: {  	_ =	sfence.sel $0x180000  }
0x31: {  	[bflag:$0x0] =	sbarrier.arrive $0xFFFF  }
0x32: {  	p0 =	sne.s32 s1, $0x0;
	_ =	strace $0x90000047  }
0x33: {  	s0 =	sadd.s32 @!p0 $0x100000, s0;
	[bflag:$0x2] =	sbarrier.arrive $0xFFFF  }
0x34: {  	[sflag:s0] =	ssyncadd.tile.s32 @!p0 $0x1;
	_ =	shalt  }
.Lfunc_end2:
_tile_overlayer_lowered:
.L_overlay_start_2:
0x35: {  	(tag) =	ssettag $0x2  }
0x36: {  	s0 =	rddreg [dreg:$0x0];
	s2 =	stileid.u32  }
0x37: {  	s1 =	rddreg [dreg:$0x1];
	p0 =	sne.s32 s2, $0x0  }
0x38: {  	s3 =	rddreg [dreg:$0x2];
	[bflag:$0x3] =	sbarrier.arrive $0xFFFF;
	s2 =	simm.s32 @!p0 $0x1C01  }
0x39: {  	[timem:s3], [sflag:s2] =	dma.local @!p0 [hbm:s0], s1  }
0x3a: {  	s0 =	simm.s32 @!p0 $0x1  }
0x3b: {  	_ =	swait.ge @!p0 [sflag:s0], s1  }
0x3c: {  	s1 =	ssub.s32 @!p0 $0x0, s1;
	[sflag:s0] =	ssyncset.done @!p0 $0x0  }
0x3d: {  	[sflag:s0] =	ssyncadd.s32 @!p0 s1  }
0x3e: {  	[bflag:$0x3] =	sbarrier.arrive $0xFFFF  }
0x3f: {  	_ =	shalt  }

</sc_bundles>
